<compile_context>
chip_gen: v7x
topology: tpu7x:2x2x1
jax: 0.10.2.dev20260603
libtpu: 0.0.44.dev20260713+nightly
codegen_flags: <defaults>
</compile_context>

<pallas_src>
import functools

import jax
import jax.numpy as jnp
from jax import lax
from jax.experimental import pallas as pl
from jax.experimental.pallas import tpu as pltpu
from jax.experimental.pallas import tpu_sc as plsc

_N = 2097152
_G = 8192
_EPS = 1e-06
_NC = 2
_NS = 16
_NW = _NC * _NS
_E = _N // _NW
_C = 16384
_NCHUNK = _E // _C
_VPC = _C // 16
_UNROLL = 8


def _sc_body(p_hbm, m_hbm, b_hbm, out_hbm,
             p0, m0, b0, p1, m1, b1, acc_v, sem0, sem1):
    wid = lax.axis_index("s") * _NC + lax.axis_index("c")
    base = wid * _E
    iota = lax.iota(jnp.int32, 16)
    shift_idx = jnp.minimum(iota + 1, 15)
    is15 = iota == 15
    bufs = ((p0, m0, b0, sem0), (p1, m1, b1, sem1))

    def start(cc):
        p_v, m_v, b_v, sem = bufs[cc % 2]
        off = base + cc * _C
        return (
            pltpu.async_copy(p_hbm.at[pl.ds(off, _C)], p_v, sem),
            pltpu.async_copy(m_hbm.at[pl.ds(off, _C)], m_v, sem),
            pltpu.async_copy(b_hbm.at[pl.ds(off, _C)], b_v, sem),
        )

    handles = start(0)

    def _zero(i, carry):
        acc_v[pl.ds(i * 16, 16)] = jnp.zeros((16,), jnp.float32)
        return carry

    lax.fori_loop(0, _G // 16, _zero, 0)

    for cc in range(_NCHUNK):
        nxt = start(cc + 1) if cc + 1 < _NCHUNK else None
        for h in handles:
            h.wait()
        handles = nxt
        p_v, m_v, b_v, _ = bufs[cc % 2]

        @plsc.parallel_loop(0, _C, 16, unroll=_UNROLL)
        def _chunk(t, p_v=p_v, m_v=m_v, b_v=b_v):
            p = p_v[pl.ds(t, 16)]
            m = m_v[pl.ds(t, 16)]
            b = b_v[pl.ds(t, 16)]
            val = p * m
            c = plsc.cumsum(val)
            b_next = plsc.load_gather(b_v, [t + shift_idx])
            bnd = b != b_next
            plsc.addupdate_scatter(acc_v, [b], c, mask=bnd | is15)
            plsc.addupdate_scatter(acc_v, [b_next], -c, mask=bnd)

    pltpu.sync_copy(acc_v, out_hbm.at[wid])


_sc_segsum = functools.partial(
    pl.kernel,
    out_type=jax.ShapeDtypeStruct((_NW, _G), jnp.float32),
    mesh=plsc.VectorSubcoreMesh(core_axis_name="c", subcore_axis_name="s"),
    compiler_params=pltpu.CompilerParams(needs_layout_passes=False),
    scratch_types=[
        pltpu.VMEM((_C,), jnp.float32),
        pltpu.VMEM((_C,), jnp.float32),
        pltpu.VMEM((_C,), jnp.int32),
        pltpu.VMEM((_C,), jnp.float32),
        pltpu.VMEM((_C,), jnp.float32),
        pltpu.VMEM((_C,), jnp.int32),
        pltpu.VMEM((_G,), jnp.float32),
        pltpu.SemaphoreType.DMA,
        pltpu.SemaphoreType.DMA,
    ],
)(_sc_body)


def _tc_body(x_ref, o_ref):
    s = jnp.sum(x_ref[...], axis=0)
    o_ref[0, 0] = -jnp.sum(jnp.log(_EPS + s)) / _G


_tc_finalize = pl.pallas_call(
    _tc_body,
    out_shape=jax.ShapeDtypeStruct((1, 1), jnp.float32),
    out_specs=pl.BlockSpec(memory_space=pltpu.SMEM),
)


@jax.jit
def kernel(P, mark_mask, batch):
    m = mark_mask.astype(jnp.float32)
    partials = _sc_segsum(P, m, batch)
    return _tc_finalize(partials)[0, 0]

# --- scband reference (transcript-rebuilt; emitter-appended) ---
"""Pipeline reference for scband-oracle-search-diff-objective-77206332112935 (READ-ONLY COPY).

The authoritative reference and input builder live on the scoring server;
editing this copy changes nothing except your own understanding.
"""

import jax, jax.numpy as jnp
import numpy as np

N = 2097152
G = 8192
EPS = 1e-06
CLAMP_LO, CLAMP_HI = 0.0, 1.0

def setup_inputs(seed: int = 0) -> dict:
    key = jax.random.key(seed)
    k1, k2, k3 = jax.random.split(key, 3)
    P = jax.random.uniform(k1, (N,), dtype=jnp.float32)
    mark_mask = jax.random.randint(k2, (N,), 0, 2) > 0
    batch = jnp.sort(jax.random.randint(k3, (N,), 0, G)).astype(jnp.int32)
    return {"P": P, "mark_mask": mark_mask, "batch": batch}

def reference(P, mark_mask, batch):
    # cfg: use_log=True, eps=1e-6, time_average=False, cvar_alpha=1.0,
    #      detach_probs=False, label_smoothing=0.0, clamp_prob=(0,1)
    # _score (single tensor, ragged packed mode):
    Pc = jnp.clip(P, CLAMP_LO, CLAMP_HI)
    mask_flat = (mark_mask != 0).astype(Pc.dtype)
    # aggregate_mark_success with batch vector -> per-graph success via index_add (segment_sum)
    success = jax.ops.segment_sum(Pc * mask_flat, batch, num_segments=G)
    # label_smoothing = 0.0 -> target stays 1 - 0 = 1, success unchanged
    success = success * (1.0 - 0.0)
    # use_log=True -> per-graph loss = -log(eps + success)
    per_graph_loss = -jnp.log(EPS + success)
    # cvar_alpha = 1.0 -> risk-neutral mean over graphs
    loss = jnp.mean(per_graph_loss)
    return loss

if __name__ == "__main__":
    import jax
    _d = setup_inputs()
    print(jax.jit(kernel)(*tuple(_d.values())))

</pallas_src>

<mosaic_0001>
#map = affine_map<(d0, d1) -> (0)>
#map1 = affine_map<(d0, d1) -> (0, 0)>
module attributes {stable_mosaic.version = 14 : i64} {
  func.func @_sc_body(%arg0: i32, %arg1: i32, %arg2: memref<2097152xf32, #tpu.memory_space<hbm>>, %arg3: memref<2097152xf32, #tpu.memory_space<hbm>>, %arg4: memref<2097152xi32, #tpu.memory_space<hbm>>, %arg5: memref<32x8192xf32, #tpu.memory_space<hbm>>, %arg6: memref<16384xf32, #tpu.memory_space<vmem>>, %arg7: memref<16384xf32, #tpu.memory_space<vmem>>, %arg8: memref<16384xi32, #tpu.memory_space<vmem>>, %arg9: memref<16384xf32, #tpu.memory_space<vmem>>, %arg10: memref<16384xf32, #tpu.memory_space<vmem>>, %arg11: memref<16384xi32, #tpu.memory_space<vmem>>, %arg12: memref<8192xf32, #tpu.memory_space<vmem>>, %arg13: memref<!tpu.dma_semaphore, #tpu.memory_space<semaphore_mem>>, %arg14: memref<!tpu.dma_semaphore, #tpu.memory_space<semaphore_mem>>) attributes {dimension_semantics = [#tpu.dimension_semantics<core_parallel>, #tpu.dimension_semantics<subcore_parallel>], iteration_bounds = array<i64: 2, 16>, scalar_prefetch = 0 : i64, scratch_operands = 9 : i64, tpu.core_type = #tpu.core_type<sc_vector_subcore>, window_params = [{transform_indices = #map}, {transform_indices = #map}, {transform_indices = #map}, {transform_indices = #map1}]} {
    %mul3A = arith.constant 2 : i32
    %mul3A_0 = arith.muli %arg1, %mul3A : i32
    %add3A = arith.addi %mul3A_0, %arg0 : i32
    %mul3A_1 = arith.constant 65536 : i32
    %mul3A_2 = arith.muli %add3A, %mul3A_1 : i32
    %iota3A = tpu.iota {dimensions = array<i32: 0>} : vector<16xi32>
    %add3A_3 = arith.constant 1 : i32
    %add3A_4 = vector.broadcast %add3A_3 : i32 to vector<16xi32>
    %add3A_5 = arith.addi %iota3A, %add3A_4 : vector<16xi32>
    %min3A = arith.constant 15 : i32
    %min3A_6 = vector.broadcast %min3A : i32 to vector<16xi32>
    %min3A_7 = arith.minsi %add3A_5, %min3A_6 : vector<16xi32>
    %eq3A = arith.constant 15 : i32
    %eq3A_8 = vector.broadcast %eq3A : i32 to vector<16xi32>
    %eq3A_9 = arith.cmpi eq, %iota3A, %eq3A_8 : vector<16xi32>
    %add3A_10 = arith.constant 0 : i32
    %add3A_11 = arith.addi %mul3A_2, %add3A_10 : i32
    %dma_start3A = tpu.memref_slice %arg2[%add3A_11] : memref<2097152xf32, #tpu.memory_space<hbm>> -> memref<16384xf32, #tpu.memory_space<hbm>>
    %dma_start3A_12 = tpu.memref_slice %arg2[%add3A_11] : memref<2097152xf32, #tpu.memory_space<hbm>> -> memref<16384xf32, #tpu.memory_space<hbm>>
    tpu.enqueue_dma source(%dma_start3A_12 : memref<16384xf32, #tpu.memory_space<hbm>>) target(%arg6 : memref<16384xf32, #tpu.memory_space<vmem>>) target_semaphore(%arg13 : memref<!tpu.dma_semaphore, #tpu.memory_space<semaphore_mem>>)
    %dma_start3A_13 = tpu.memref_slice %arg3[%add3A_11] : memref<2097152xf32, #tpu.memory_space<hbm>> -> memref<16384xf32, #tpu.memory_space<hbm>>
    %dma_start3A_14 = tpu.memref_slice %arg3[%add3A_11] : memref<2097152xf32, #tpu.memory_space<hbm>> -> memref<16384xf32, #tpu.memory_space<hbm>>
    tpu.enqueue_dma source(%dma_start3A_14 : memref<16384xf32, #tpu.memory_space<hbm>>) target(%arg7 : memref<16384xf32, #tpu.memory_space<vmem>>) target_semaphore(%arg13 : memref<!tpu.dma_semaphore, #tpu.memory_space<semaphore_mem>>)
    %dma_start3A_15 = tpu.memref_slice %arg4[%add3A_11] : memref<2097152xi32, #tpu.memory_space<hbm>> -> memref<16384xi32, #tpu.memory_space<hbm>>
    %dma_start3A_16 = tpu.memref_slice %arg4[%add3A_11] : memref<2097152xi32, #tpu.memory_space<hbm>> -> memref<16384xi32, #tpu.memory_space<hbm>>
    tpu.enqueue_dma source(%dma_start3A_16 : memref<16384xi32, #tpu.memory_space<hbm>>) target(%arg8 : memref<16384xi32, #tpu.memory_space<vmem>>) target_semaphore(%arg13 : memref<!tpu.dma_semaphore, #tpu.memory_space<semaphore_mem>>)
    %scan3A = arith.constant 0 : i32
    %scan3A_17 = arith.constant 0 : i32
    %scan3A_18 = arith.constant 512 : i32
    %scan3A_19 = arith.addi %scan3A_17, %scan3A_18 : i32
    %scan3A_20 = arith.constant 1 : i32
    scf.for %scan3A_80 = %scan3A_17 to %scan3A_19 step %scan3A_20  : i32 {
      %broadcast_in_dim3A = arith.constant 0.000000e+00 : f32
      %broadcast_in_dim3A_81 = vector.broadcast %broadcast_in_dim3A : f32 to vector<16xf32>
      %mul3A_82 = arith.constant 16 : i32
      %mul3A_83 = arith.muli %scan3A_80, %mul3A_82 : i32
      %swap3A = arith.index_cast %mul3A_83 : i32 to index
      %swap3A_84 = tpu.vector_load %arg12[%swap3A] {strides = array<i32>} : memref<8192xf32, #tpu.memory_space<vmem>>, vector<16xf32>,
      tpu.vector_store %arg12[%swap3A], %broadcast_in_dim3A_81 {strides = array<i32>} : memref<8192xf32, #tpu.memory_space<vmem>>, vector<16xf32>,
    }
    %scan3A_21 = arith.constant 512 : i32
    %add3A_22 = arith.constant 16384 : i32
    %add3A_23 = arith.addi %mul3A_2, %add3A_22 : i32
    %dma_start3A_24 = tpu.memref_slice %arg2[%add3A_23] : memref<2097152xf32, #tpu.memory_space<hbm>> -> memref<16384xf32, #tpu.memory_space<hbm>>
    %dma_start3A_25 = tpu.memref_slice %arg2[%add3A_23] : memref<2097152xf32, #tpu.memory_space<hbm>> -> memref<16384xf32, #tpu.memory_space<hbm>>
    tpu.enqueue_dma source(%dma_start3A_25 : memref<16384xf32, #tpu.memory_space<hbm>>) target(%arg9 : memref<16384xf32, #tpu.memory_space<vmem>>) target_semaphore(%arg14 : memref<!tpu.dma_semaphore, #tpu.memory_space<semaphore_mem>>)
    %dma_start3A_26 = tpu.memref_slice %arg3[%add3A_23] : memref<2097152xf32, #tpu.memory_space<hbm>> -> memref<16384xf32, #tpu.memory_space<hbm>>
    %dma_start3A_27 = tpu.memref_slice %arg3[%add3A_23] : memref<2097152xf32, #tpu.memory_space<hbm>> -> memref<16384xf32, #tpu.memory_space<hbm>>
    tpu.enqueue_dma source(%dma_start3A_27 : memref<16384xf32, #tpu.memory_space<hbm>>) target(%arg10 : memref<16384xf32, #tpu.memory_space<vmem>>) target_semaphore(%arg14 : memref<!tpu.dma_semaphore, #tpu.memory_space<semaphore_mem>>)
    %dma_start3A_28 = tpu.memref_slice %arg4[%add3A_23] : memref<2097152xi32, #tpu.memory_space<hbm>> -> memref<16384xi32, #tpu.memory_space<hbm>>
    %dma_start3A_29 = tpu.memref_slice %arg4[%add3A_23] : memref<2097152xi32, #tpu.memory_space<hbm>> -> memref<16384xi32, #tpu.memory_space<hbm>>
    tpu.enqueue_dma source(%dma_start3A_29 : memref<16384xi32, #tpu.memory_space<hbm>>) target(%arg11 : memref<16384xi32, #tpu.memory_space<vmem>>) target_semaphore(%arg14 : memref<!tpu.dma_semaphore, #tpu.memory_space<semaphore_mem>>)
    %dma_wait3A = tpu.memref_slice %arg2[%add3A_11] : memref<2097152xf32, #tpu.memory_space<hbm>> -> memref<16384xf32, #tpu.memory_space<hbm>>
    %dma_wait3A_30 = tpu.memref_slice %arg2[%add3A_11] : memref<2097152xf32, #tpu.memory_space<hbm>> -> memref<16384xf32, #tpu.memory_space<hbm>>
    tpu.wait_dma2 semaphore(%arg13 : memref<!tpu.dma_semaphore, #tpu.memory_space<semaphore_mem>>) src(%dma_wait3A_30 : memref<16384xf32, #tpu.memory_space<hbm>>) dst(%arg6 : memref<16384xf32, #tpu.memory_space<vmem>>)
    %dma_wait3A_31 = tpu.memref_slice %arg3[%add3A_11] : memref<2097152xf32, #tpu.memory_space<hbm>> -> memref<16384xf32, #tpu.memory_space<hbm>>
    %dma_wait3A_32 = tpu.memref_slice %arg3[%add3A_11] : memref<2097152xf32, #tpu.memory_space<hbm>> -> memref<16384xf32, #tpu.memory_space<hbm>>
    tpu.wait_dma2 semaphore(%arg13 : memref<!tpu.dma_semaphore, #tpu.memory_space<semaphore_mem>>) src(%dma_wait3A_32 : memref<16384xf32, #tpu.memory_space<hbm>>) dst(%arg7 : memref<16384xf32, #tpu.memory_space<vmem>>)
    %dma_wait3A_33 = tpu.memref_slice %arg4[%add3A_11] : memref<2097152xi32, #tpu.memory_space<hbm>> -> memref<16384xi32, #tpu.memory_space<hbm>>
    %dma_wait3A_34 = tpu.memref_slice %arg4[%add3A_11] : memref<2097152xi32, #tpu.memory_space<hbm>> -> memref<16384xi32, #tpu.memory_space<hbm>>
    tpu.wait_dma2 semaphore(%arg13 : memref<!tpu.dma_semaphore, #tpu.memory_space<semaphore_mem>>) src(%dma_wait3A_34 : memref<16384xi32, #tpu.memory_space<hbm>>) dst(%arg8 : memref<16384xi32, #tpu.memory_space<vmem>>)
    %parallel_loop3A = arith.constant 0 : i32
    %parallel_loop3A_35 = arith.constant 16384 : i32
    %parallel_loop3A_36 = arith.constant 16 : i32
    scf.for %parallel_loop3A_80 = %parallel_loop3A to %parallel_loop3A_35 step %parallel_loop3A_36  : i32 {
      %parallel_loop3A_81 = arith.index_cast %parallel_loop3A_80 : i32 to index
      %parallel_loop3A_82 = tpu.vector_load %arg6[%parallel_loop3A_81] {strides = array<i32>} : memref<16384xf32, #tpu.memory_space<vmem>>, vector<16xf32>,
      %parallel_loop3A_83 = arith.index_cast %parallel_loop3A_80 : i32 to index
      %parallel_loop3A_84 = tpu.vector_load %arg7[%parallel_loop3A_83] {strides = array<i32>} : memref<16384xf32, #tpu.memory_space<vmem>>, vector<16xf32>,
      %parallel_loop3A_85 = arith.index_cast %parallel_loop3A_80 : i32 to index
      %parallel_loop3A_86 = tpu.vector_load %arg8[%parallel_loop3A_85] {strides = array<i32>} : memref<16384xi32, #tpu.memory_space<vmem>>, vector<16xi32>,
      %parallel_loop3A_87 = arith.mulf %parallel_loop3A_82, %parallel_loop3A_84 : vector<16xf32>
      %parallel_loop3A_88 = arith.constant true
      %parallel_loop3A_89 = vector.broadcast %parallel_loop3A_88 : i1 to vector<16xi1>
      %parallel_loop3A_90 = tpu.scan <sum>, %parallel_loop3A_87 masked %parallel_loop3A_89 : vector<16xf32>, vector<16xi1> -> vector<16xf32>
      %parallel_loop3A_91 = vector.broadcast %parallel_loop3A_80 : i32 to vector<16xi32>
      %parallel_loop3A_92 = arith.addi %parallel_loop3A_91, %min3A_7 : vector<16xi32>
      %parallel_loop3A_93 = tpu.vector_load_idx %arg8[%parallel_loop3A_92] : memref<16384xi32, #tpu.memory_space<vmem>>[vector<16xi32>], vector<16xi32>,
      %parallel_loop3A_94 = arith.cmpi ne, %parallel_loop3A_86, %parallel_loop3A_93 : vector<16xi32>
      %parallel_loop3A_95 = arith.ori %parallel_loop3A_94, %eq3A_9 : vector<16xi1>
      tpu.vector_store_idx %arg12[%parallel_loop3A_86], %parallel_loop3A_90 masked %parallel_loop3A_95 {add = true} : memref<8192xf32, #tpu.memory_space<vmem>>[vector<16xi32>], vector<16xf32>, vector<16xi1>
      %parallel_loop3A_96 = arith.constant 0.000000e+00 : f32
      %parallel_loop3A_97 = vector.broadcast %parallel_loop3A_96 : f32 to vector<16xf32>
      %parallel_loop3A_98 = arith.subf %parallel_loop3A_97, %parallel_loop3A_90 : vector<16xf32>
      tpu.vector_store_idx %arg12[%parallel_loop3A_93], %parallel_loop3A_98 masked %parallel_loop3A_94 {add = true} : memref<8192xf32, #tpu.memory_space<vmem>>[vector<16xi32>], vector<16xf32>, vector<16xi1>
    } {sc.loop_unroll_factor = 8 : i64, sc.parallel_access}
    %add3A_37 = arith.constant 32768 : i32
    %add3A_38 = arith.addi %mul3A_2, %add3A_37 : i32
    %dma_start3A_39 = tpu.memref_slice %arg2[%add3A_38] : memref<2097152xf32, #tpu.memory_space<hbm>> -> memref<16384xf32, #tpu.memory_space<hbm>>
    %dma_start3A_40 = tpu.memref_slice %arg2[%add3A_38] : memref<2097152xf32, #tpu.memory_space<hbm>> -> memref<16384xf32, #tpu.memory_space<hbm>>
    tpu.enqueue_dma source(%dma_start3A_40 : memref<16384xf32, #tpu.memory_space<hbm>>) target(%arg6 : memref<16384xf32, #tpu.memory_space<vmem>>) target_semaphore(%arg13 : memref<!tpu.dma_semaphore, #tpu.memory_space<semaphore_mem>>)
    %dma_start3A_41 = tpu.memref_slice %arg3[%add3A_38] : memref<2097152xf32, #tpu.memory_space<hbm>> -> memref<16384xf32, #tpu.memory_space<hbm>>
    %dma_start3A_42 = tpu.memref_slice %arg3[%add3A_38] : memref<2097152xf32, #tpu.memory_space<hbm>> -> memref<16384xf32, #tpu.memory_space<hbm>>
    tpu.enqueue_dma source(%dma_start3A_42 : memref<16384xf32, #tpu.memory_space<hbm>>) target(%arg7 : memref<16384xf32, #tpu.memory_space<vmem>>) target_semaphore(%arg13 : memref<!tpu.dma_semaphore, #tpu.memory_space<semaphore_mem>>)
    %dma_start3A_43 = tpu.memref_slice %arg4[%add3A_38] : memref<2097152xi32, #tpu.memory_space<hbm>> -> memref<16384xi32, #tpu.memory_space<hbm>>
    %dma_start3A_44 = tpu.memref_slice %arg4[%add3A_38] : memref<2097152xi32, #tpu.memory_space<hbm>> -> memref<16384xi32, #tpu.memory_space<hbm>>
    tpu.enqueue_dma source(%dma_start3A_44 : memref<16384xi32, #tpu.memory_space<hbm>>) target(%arg8 : memref<16384xi32, #tpu.memory_space<vmem>>) target_semaphore(%arg13 : memref<!tpu.dma_semaphore, #tpu.memory_space<semaphore_mem>>)
    %dma_wait3A_45 = tpu.memref_slice %arg2[%add3A_23] : memref<2097152xf32, #tpu.memory_space<hbm>> -> memref<16384xf32, #tpu.memory_space<hbm>>
    %dma_wait3A_46 = tpu.memref_slice %arg2[%add3A_23] : memref<2097152xf32, #tpu.memory_space<hbm>> -> memref<16384xf32, #tpu.memory_space<hbm>>
    tpu.wait_dma2 semaphore(%arg14 : memref<!tpu.dma_semaphore, #tpu.memory_space<semaphore_mem>>) src(%dma_wait3A_46 : memref<16384xf32, #tpu.memory_space<hbm>>) dst(%arg9 : memref<16384xf32, #tpu.memory_space<vmem>>)
    %dma_wait3A_47 = tpu.memref_slice %arg3[%add3A_23] : memref<2097152xf32, #tpu.memory_space<hbm>> -> memref<16384xf32, #tpu.memory_space<hbm>>
    %dma_wait3A_48 = tpu.memref_slice %arg3[%add3A_23] : memref<2097152xf32, #tpu.memory_space<hbm>> -> memref<16384xf32, #tpu.memory_space<hbm>>
    tpu.wait_dma2 semaphore(%arg14 : memref<!tpu.dma_semaphore, #tpu.memory_space<semaphore_mem>>) src(%dma_wait3A_48 : memref<16384xf32, #tpu.memory_space<hbm>>) dst(%arg10 : memref<16384xf32, #tpu.memory_space<vmem>>)
    %dma_wait3A_49 = tpu.memref_slice %arg4[%add3A_23] : memref<2097152xi32, #tpu.memory_space<hbm>> -> memref<16384xi32, #tpu.memory_space<hbm>>
    %dma_wait3A_50 = tpu.memref_slice %arg4[%add3A_23] : memref<2097152xi32, #tpu.memory_space<hbm>> -> memref<16384xi32, #tpu.memory_space<hbm>>
    tpu.wait_dma2 semaphore(%arg14 : memref<!tpu.dma_semaphore, #tpu.memory_space<semaphore_mem>>) src(%dma_wait3A_50 : memref<16384xi32, #tpu.memory_space<hbm>>) dst(%arg11 : memref<16384xi32, #tpu.memory_space<vmem>>)
    %parallel_loop3A_51 = arith.constant 0 : i32
    %parallel_loop3A_52 = arith.constant 16384 : i32
    %parallel_loop3A_53 = arith.constant 16 : i32
    scf.for %parallel_loop3A_80 = %parallel_loop3A_51 to %parallel_loop3A_52 step %parallel_loop3A_53  : i32 {
      %parallel_loop3A_81 = arith.index_cast %parallel_loop3A_80 : i32 to index
      %parallel_loop3A_82 = tpu.vector_load %arg9[%parallel_loop3A_81] {strides = array<i32>} : memref<16384xf32, #tpu.memory_space<vmem>>, vector<16xf32>,
      %parallel_loop3A_83 = arith.index_cast %parallel_loop3A_80 : i32 to index
      %parallel_loop3A_84 = tpu.vector_load %arg10[%parallel_loop3A_83] {strides = array<i32>} : memref<16384xf32, #tpu.memory_space<vmem>>, vector<16xf32>,
      %parallel_loop3A_85 = arith.index_cast %parallel_loop3A_80 : i32 to index
      %parallel_loop3A_86 = tpu.vector_load %arg11[%parallel_loop3A_85] {strides = array<i32>} : memref<16384xi32, #tpu.memory_space<vmem>>, vector<16xi32>,
      %parallel_loop3A_87 = arith.mulf %parallel_loop3A_82, %parallel_loop3A_84 : vector<16xf32>
      %parallel_loop3A_88 = arith.constant true
      %parallel_loop3A_89 = vector.broadcast %parallel_loop3A_88 : i1 to vector<16xi1>
      %parallel_loop3A_90 = tpu.scan <sum>, %parallel_loop3A_87 masked %parallel_loop3A_89 : vector<16xf32>, vector<16xi1> -> vector<16xf32>
      %parallel_loop3A_91 = vector.broadcast %parallel_loop3A_80 : i32 to vector<16xi32>
      %parallel_loop3A_92 = arith.addi %parallel_loop3A_91, %min3A_7 : vector<16xi32>
      %parallel_loop3A_93 = tpu.vector_load_idx %arg11[%parallel_loop3A_92] : memref<16384xi32, #tpu.memory_space<vmem>>[vector<16xi32>], vector<16xi32>,
      %parallel_loop3A_94 = arith.cmpi ne, %parallel_loop3A_86, %parallel_loop3A_93 : vector<16xi32>
      %parallel_loop3A_95 = arith.ori %parallel_loop3A_94, %eq3A_9 : vector<16xi1>
      tpu.vector_store_idx %arg12[%parallel_loop3A_86], %parallel_loop3A_90 masked %parallel_loop3A_95 {add = true} : memref<8192xf32, #tpu.memory_space<vmem>>[vector<16xi32>], vector<16xf32>, vector<16xi1>
      %parallel_loop3A_96 = arith.constant 0.000000e+00 : f32
      %parallel_loop3A_97 = vector.broadcast %parallel_loop3A_96 : f32 to vector<16xf32>
      %parallel_loop3A_98 = arith.subf %parallel_loop3A_97, %parallel_loop3A_90 : vector<16xf32>
      tpu.vector_store_idx %arg12[%parallel_loop3A_93], %parallel_loop3A_98 masked %parallel_loop3A_94 {add = true} : memref<8192xf32, #tpu.memory_space<vmem>>[vector<16xi32>], vector<16xf32>, vector<16xi1>
    } {sc.loop_unroll_factor = 8 : i64, sc.parallel_access}
    %add3A_54 = arith.constant 49152 : i32
    %add3A_55 = arith.addi %mul3A_2, %add3A_54 : i32
    %dma_start3A_56 = tpu.memref_slice %arg2[%add3A_55] : memref<2097152xf32, #tpu.memory_space<hbm>> -> memref<16384xf32, #tpu.memory_space<hbm>>
    %dma_start3A_57 = tpu.memref_slice %arg2[%add3A_55] : memref<2097152xf32, #tpu.memory_space<hbm>> -> memref<16384xf32, #tpu.memory_space<hbm>>
    tpu.enqueue_dma source(%dma_start3A_57 : memref<16384xf32, #tpu.memory_space<hbm>>) target(%arg9 : memref<16384xf32, #tpu.memory_space<vmem>>) target_semaphore(%arg14 : memref<!tpu.dma_semaphore, #tpu.memory_space<semaphore_mem>>)
    %dma_start3A_58 = tpu.memref_slice %arg3[%add3A_55] : memref<2097152xf32, #tpu.memory_space<hbm>> -> memref<16384xf32, #tpu.memory_space<hbm>>
    %dma_start3A_59 = tpu.memref_slice %arg3[%add3A_55] : memref<2097152xf32, #tpu.memory_space<hbm>> -> memref<16384xf32, #tpu.memory_space<hbm>>
    tpu.enqueue_dma source(%dma_start3A_59 : memref<16384xf32, #tpu.memory_space<hbm>>) target(%arg10 : memref<16384xf32, #tpu.memory_space<vmem>>) target_semaphore(%arg14 : memref<!tpu.dma_semaphore, #tpu.memory_space<semaphore_mem>>)
    %dma_start3A_60 = tpu.memref_slice %arg4[%add3A_55] : memref<2097152xi32, #tpu.memory_space<hbm>> -> memref<16384xi32, #tpu.memory_space<hbm>>
    %dma_start3A_61 = tpu.memref_slice %arg4[%add3A_55] : memref<2097152xi32, #tpu.memory_space<hbm>> -> memref<16384xi32, #tpu.memory_space<hbm>>
    tpu.enqueue_dma source(%dma_start3A_61 : memref<16384xi32, #tpu.memory_space<hbm>>) target(%arg11 : memref<16384xi32, #tpu.memory_space<vmem>>) target_semaphore(%arg14 : memref<!tpu.dma_semaphore, #tpu.memory_space<semaphore_mem>>)
    %dma_wait3A_62 = tpu.memref_slice %arg2[%add3A_38] : memref<2097152xf32, #tpu.memory_space<hbm>> -> memref<16384xf32, #tpu.memory_space<hbm>>
    %dma_wait3A_63 = tpu.memref_slice %arg2[%add3A_38] : memref<2097152xf32, #tpu.memory_space<hbm>> -> memref<16384xf32, #tpu.memory_space<hbm>>
    tpu.wait_dma2 semaphore(%arg13 : memref<!tpu.dma_semaphore, #tpu.memory_space<semaphore_mem>>) src(%dma_wait3A_63 : memref<16384xf32, #tpu.memory_space<hbm>>) dst(%arg6 : memref<16384xf32, #tpu.memory_space<vmem>>)
    %dma_wait3A_64 = tpu.memref_slice %arg3[%add3A_38] : memref<2097152xf32, #tpu.memory_space<hbm>> -> memref<16384xf32, #tpu.memory_space<hbm>>
    %dma_wait3A_65 = tpu.memref_slice %arg3[%add3A_38] : memref<2097152xf32, #tpu.memory_space<hbm>> -> memref<16384xf32, #tpu.memory_space<hbm>>
    tpu.wait_dma2 semaphore(%arg13 : memref<!tpu.dma_semaphore, #tpu.memory_space<semaphore_mem>>) src(%dma_wait3A_65 : memref<16384xf32, #tpu.memory_space<hbm>>) dst(%arg7 : memref<16384xf32, #tpu.memory_space<vmem>>)
    %dma_wait3A_66 = tpu.memref_slice %arg4[%add3A_38] : memref<2097152xi32, #tpu.memory_space<hbm>> -> memref<16384xi32, #tpu.memory_space<hbm>>
    %dma_wait3A_67 = tpu.memref_slice %arg4[%add3A_38] : memref<2097152xi32, #tpu.memory_space<hbm>> -> memref<16384xi32, #tpu.memory_space<hbm>>
    tpu.wait_dma2 semaphore(%arg13 : memref<!tpu.dma_semaphore, #tpu.memory_space<semaphore_mem>>) src(%dma_wait3A_67 : memref<16384xi32, #tpu.memory_space<hbm>>) dst(%arg8 : memref<16384xi32, #tpu.memory_space<vmem>>)
    %parallel_loop3A_68 = arith.constant 0 : i32
    %parallel_loop3A_69 = arith.constant 16384 : i32
    %parallel_loop3A_70 = arith.constant 16 : i32
    scf.for %parallel_loop3A_80 = %parallel_loop3A_68 to %parallel_loop3A_69 step %parallel_loop3A_70  : i32 {
      %parallel_loop3A_81 = arith.index_cast %parallel_loop3A_80 : i32 to index
      %parallel_loop3A_82 = tpu.vector_load %arg6[%parallel_loop3A_81] {strides = array<i32>} : memref<16384xf32, #tpu.memory_space<vmem>>, vector<16xf32>,
      %parallel_loop3A_83 = arith.index_cast %parallel_loop3A_80 : i32 to index
      %parallel_loop3A_84 = tpu.vector_load %arg7[%parallel_loop3A_83] {strides = array<i32>} : memref<16384xf32, #tpu.memory_space<vmem>>, vector<16xf32>,
      %parallel_loop3A_85 = arith.index_cast %parallel_loop3A_80 : i32 to index
      %parallel_loop3A_86 = tpu.vector_load %arg8[%parallel_loop3A_85] {strides = array<i32>} : memref<16384xi32, #tpu.memory_space<vmem>>, vector<16xi32>,
      %parallel_loop3A_87 = arith.mulf %parallel_loop3A_82, %parallel_loop3A_84 : vector<16xf32>
      %parallel_loop3A_88 = arith.constant true
      %parallel_loop3A_89 = vector.broadcast %parallel_loop3A_88 : i1 to vector<16xi1>
      %parallel_loop3A_90 = tpu.scan <sum>, %parallel_loop3A_87 masked %parallel_loop3A_89 : vector<16xf32>, vector<16xi1> -> vector<16xf32>
      %parallel_loop3A_91 = vector.broadcast %parallel_loop3A_80 : i32 to vector<16xi32>
      %parallel_loop3A_92 = arith.addi %parallel_loop3A_91, %min3A_7 : vector<16xi32>
      %parallel_loop3A_93 = tpu.vector_load_idx %arg8[%parallel_loop3A_92] : memref<16384xi32, #tpu.memory_space<vmem>>[vector<16xi32>], vector<16xi32>,
      %parallel_loop3A_94 = arith.cmpi ne, %parallel_loop3A_86, %parallel_loop3A_93 : vector<16xi32>
      %parallel_loop3A_95 = arith.ori %parallel_loop3A_94, %eq3A_9 : vector<16xi1>
      tpu.vector_store_idx %arg12[%parallel_loop3A_86], %parallel_loop3A_90 masked %parallel_loop3A_95 {add = true} : memref<8192xf32, #tpu.memory_space<vmem>>[vector<16xi32>], vector<16xf32>, vector<16xi1>
      %parallel_loop3A_96 = arith.constant 0.000000e+00 : f32
      %parallel_loop3A_97 = vector.broadcast %parallel_loop3A_96 : f32 to vector<16xf32>
      %parallel_loop3A_98 = arith.subf %parallel_loop3A_97, %parallel_loop3A_90 : vector<16xf32>
      tpu.vector_store_idx %arg12[%parallel_loop3A_93], %parallel_loop3A_98 masked %parallel_loop3A_94 {add = true} : memref<8192xf32, #tpu.memory_space<vmem>>[vector<16xi32>], vector<16xf32>, vector<16xi1>
    } {sc.loop_unroll_factor = 8 : i64, sc.parallel_access}
    %dma_wait3A_71 = tpu.memref_slice %arg2[%add3A_55] : memref<2097152xf32, #tpu.memory_space<hbm>> -> memref<16384xf32, #tpu.memory_space<hbm>>
    %dma_wait3A_72 = tpu.memref_slice %arg2[%add3A_55] : memref<2097152xf32, #tpu.memory_space<hbm>> -> memref<16384xf32, #tpu.memory_space<hbm>>
    tpu.wait_dma2 semaphore(%arg14 : memref<!tpu.dma_semaphore, #tpu.memory_space<semaphore_mem>>) src(%dma_wait3A_72 : memref<16384xf32, #tpu.memory_space<hbm>>) dst(%arg9 : memref<16384xf32, #tpu.memory_space<vmem>>)
    %dma_wait3A_73 = tpu.memref_slice %arg3[%add3A_55] : memref<2097152xf32, #tpu.memory_space<hbm>> -> memref<16384xf32, #tpu.memory_space<hbm>>
    %dma_wait3A_74 = tpu.memref_slice %arg3[%add3A_55] : memref<2097152xf32, #tpu.memory_space<hbm>> -> memref<16384xf32, #tpu.memory_space<hbm>>
    tpu.wait_dma2 semaphore(%arg14 : memref<!tpu.dma_semaphore, #tpu.memory_space<semaphore_mem>>) src(%dma_wait3A_74 : memref<16384xf32, #tpu.memory_space<hbm>>) dst(%arg10 : memref<16384xf32, #tpu.memory_space<vmem>>)
    %dma_wait3A_75 = tpu.memref_slice %arg4[%add3A_55] : memref<2097152xi32, #tpu.memory_space<hbm>> -> memref<16384xi32, #tpu.memory_space<hbm>>
    %dma_wait3A_76 = tpu.memref_slice %arg4[%add3A_55] : memref<2097152xi32, #tpu.memory_space<hbm>> -> memref<16384xi32, #tpu.memory_space<hbm>>
    tpu.wait_dma2 semaphore(%arg14 : memref<!tpu.dma_semaphore, #tpu.memory_space<semaphore_mem>>) src(%dma_wait3A_76 : memref<16384xi32, #tpu.memory_space<hbm>>) dst(%arg11 : memref<16384xi32, #tpu.memory_space<vmem>>)
    %parallel_loop3A_77 = arith.constant 0 : i32
    %parallel_loop3A_78 = arith.constant 16384 : i32
    %parallel_loop3A_79 = arith.constant 16 : i32
    scf.for %parallel_loop3A_80 = %parallel_loop3A_77 to %parallel_loop3A_78 step %parallel_loop3A_79  : i32 {
      %parallel_loop3A_81 = arith.index_cast %parallel_loop3A_80 : i32 to index
      %parallel_loop3A_82 = tpu.vector_load %arg9[%parallel_loop3A_81] {strides = array<i32>} : memref<16384xf32, #tpu.memory_space<vmem>>, vector<16xf32>,
      %parallel_loop3A_83 = arith.index_cast %parallel_loop3A_80 : i32 to index
      %parallel_loop3A_84 = tpu.vector_load %arg10[%parallel_loop3A_83] {strides = array<i32>} : memref<16384xf32, #tpu.memory_space<vmem>>, vector<16xf32>,
      %parallel_loop3A_85 = arith.index_cast %parallel_loop3A_80 : i32 to index
      %parallel_loop3A_86 = tpu.vector_load %arg11[%parallel_loop3A_85] {strides = array<i32>} : memref<16384xi32, #tpu.memory_space<vmem>>, vector<16xi32>,
      %parallel_loop3A_87 = arith.mulf %parallel_loop3A_82, %parallel_loop3A_84 : vector<16xf32>
      %parallel_loop3A_88 = arith.constant true
      %parallel_loop3A_89 = vector.broadcast %parallel_loop3A_88 : i1 to vector<16xi1>
      %parallel_loop3A_90 = tpu.scan <sum>, %parallel_loop3A_87 masked %parallel_loop3A_89 : vector<16xf32>, vector<16xi1> -> vector<16xf32>
      %parallel_loop3A_91 = vector.broadcast %parallel_loop3A_80 : i32 to vector<16xi32>
      %parallel_loop3A_92 = arith.addi %parallel_loop3A_91, %min3A_7 : vector<16xi32>
      %parallel_loop3A_93 = tpu.vector_load_idx %arg11[%parallel_loop3A_92] : memref<16384xi32, #tpu.memory_space<vmem>>[vector<16xi32>], vector<16xi32>,
      %parallel_loop3A_94 = arith.cmpi ne, %parallel_loop3A_86, %parallel_loop3A_93 : vector<16xi32>
      %parallel_loop3A_95 = arith.ori %parallel_loop3A_94, %eq3A_9 : vector<16xi1>
      tpu.vector_store_idx %arg12[%parallel_loop3A_86], %parallel_loop3A_90 masked %parallel_loop3A_95 {add = true} : memref<8192xf32, #tpu.memory_space<vmem>>[vector<16xi32>], vector<16xf32>, vector<16xi1>
      %parallel_loop3A_96 = arith.constant 0.000000e+00 : f32
      %parallel_loop3A_97 = vector.broadcast %parallel_loop3A_96 : f32 to vector<16xf32>
      %parallel_loop3A_98 = arith.subf %parallel_loop3A_97, %parallel_loop3A_90 : vector<16xf32>
      tpu.vector_store_idx %arg12[%parallel_loop3A_93], %parallel_loop3A_98 masked %parallel_loop3A_94 {add = true} : memref<8192xf32, #tpu.memory_space<vmem>>[vector<16xi32>], vector<16xf32>, vector<16xi1>
    } {sc.loop_unroll_factor = 8 : i64, sc.parallel_access}
    "tpu.region"() ({
      %run_scoped3A = tpu.sem_alloc : memref<!tpu.dma_semaphore, #tpu.memory_space<semaphore_mem>>
      %dma_start3A_80 = arith.constant 0 : i32
      %dma_start3A_81 = tpu.memref_slice %arg5[%add3A, %dma_start3A_80] : memref<32x8192xf32, #tpu.memory_space<hbm>> -> memref<1x8192xf32, #tpu.memory_space<hbm>>
      %dma_start3A_82 = tpu.memref_squeeze %dma_start3A_81 : memref<1x8192xf32, #tpu.memory_space<hbm>> -> memref<8192xf32, #tpu.memory_space<hbm>>
      %dma_start3A_83 = arith.constant 0 : i32
      %dma_start3A_84 = tpu.memref_slice %arg5[%add3A, %dma_start3A_83] : memref<32x8192xf32, #tpu.memory_space<hbm>> -> memref<1x8192xf32, #tpu.memory_space<hbm>>
      %dma_start3A_85 = tpu.memref_squeeze %dma_start3A_84 : memref<1x8192xf32, #tpu.memory_space<hbm>> -> memref<8192xf32, #tpu.memory_space<hbm>>
      tpu.enqueue_dma source(%arg12 : memref<8192xf32, #tpu.memory_space<vmem>>) target(%dma_start3A_85 : memref<8192xf32, #tpu.memory_space<hbm>>) target_semaphore(%run_scoped3A : memref<!tpu.dma_semaphore, #tpu.memory_space<semaphore_mem>>)
      %dma_wait3A_86 = arith.constant 0 : i32
      %dma_wait3A_87 = tpu.memref_slice %arg5[%add3A, %dma_wait3A_86] : memref<32x8192xf32, #tpu.memory_space<hbm>> -> memref<1x8192xf32, #tpu.memory_space<hbm>>
      %dma_wait3A_88 = tpu.memref_squeeze %dma_wait3A_87 : memref<1x8192xf32, #tpu.memory_space<hbm>> -> memref<8192xf32, #tpu.memory_space<hbm>>
      %dma_wait3A_89 = arith.constant 0 : i32
      %dma_wait3A_90 = tpu.memref_slice %arg5[%add3A, %dma_wait3A_89] : memref<32x8192xf32, #tpu.memory_space<hbm>> -> memref<1x8192xf32, #tpu.memory_space<hbm>>
      %dma_wait3A_91 = tpu.memref_squeeze %dma_wait3A_90 : memref<1x8192xf32, #tpu.memory_space<hbm>> -> memref<8192xf32, #tpu.memory_space<hbm>>
      tpu.wait_dma2 semaphore(%run_scoped3A : memref<!tpu.dma_semaphore, #tpu.memory_space<semaphore_mem>>) src(%arg12 : memref<8192xf32, #tpu.memory_space<vmem>>) dst(%dma_wait3A_91 : memref<8192xf32, #tpu.memory_space<hbm>>)
      tpu.yield
    }) : () -> ()
    return
  }
}

module attributes {stable_mosaic.version = 14 : i64} {
  func.func @_tc_body(%arg0: memref<32x8192xf32, #tpu.memory_space<vmem>>, %arg1: memref<1x1xf32, #tpu.memory_space<smem>>) attributes {dimension_semantics = [], scalar_prefetch = 0 : i64, scratch_operands = 0 : i64, tpu.core_type = #tpu.core_type<tc>} {
    %get3A = arith.constant 0 : index
    %get3A_0 = arith.constant 0 : index
    %get3A_1 = vector.load %arg0[%get3A, %get3A_0] : memref<32x8192xf32, #tpu.memory_space<vmem>>, vector<32x8192xf32>
    %reduce_sum3A = arith.constant dense<0.000000e+00> : vector<8192xf32>
    %reduce_sum3A_2 = vector.multi_reduction <add>, %get3A_1, %reduce_sum3A [0] : vector<32x8192xf32> to vector<8192xf32>
    %add3A = arith.constant 9.99999997E-7 : f32
    %add3A_3 = vector.broadcast %add3A : f32 to vector<8192xf32>
    %add3A_4 = arith.addf %add3A_3, %reduce_sum3A_2 : vector<8192xf32>
    %log3A = math.log %add3A_4 : vector<8192xf32>
    %reduce_sum3A_5 = vector.shape_cast %log3A : vector<8192xf32> to vector<1x8192xf32>
    %reduce_sum3A_6 = arith.constant dense<0.000000e+00> : vector<1xf32>
    %reduce_sum3A_7 = vector.multi_reduction <add>, %reduce_sum3A_5, %reduce_sum3A_6 [1] : vector<1x8192xf32> to vector<1xf32>
    %reduce_sum3A_8 = vector.shape_cast %reduce_sum3A_7 : vector<1xf32> to vector<1x1xf32>
    %reduce_sum3A_9 = vector.extract %reduce_sum3A_8[0, 0] : f32 from vector<1x1xf32>
    %neg3A = arith.constant 0.000000e+00 : f32
    %neg3A_10 = arith.subf %neg3A, %reduce_sum3A_9 : f32
    %div3A = arith.constant 8.192000e+03 : f32
    %div3A_11 = arith.divf %neg3A_10, %div3A : f32
    %swap3A = arith.constant 0 : index
    %swap3A_12 = arith.constant 0 : index
    %swap3A_13 = memref.load %arg1[%swap3A, %swap3A_12] : memref<1x1xf32, #tpu.memory_space<smem>>
    memref.store %div3A_11, %arg1[%swap3A, %swap3A_12] : memref<1x1xf32, #tpu.memory_space<smem>>
    return
  }
}

</mosaic_0001>

<sc_bundles>
// kernel: kernel.4.cloned.1.call-start
scs
__scs_entry_jumppad:
0x0: {  	(pc) =	sbr.rel $0x88, $3  }
0x1: {  	(tag) =	ssettag $0x0;
	lr =	simm.s32 $0x1  }
0x2: {  	[smem:$0x3F9E] =	sst lr;
	_ =	strace $0xD0000000  }
0x3: {  	_ = 	snop  }
0x4: {  	_ = 	snop  }
0x5: {  	_ = 	snop  }
0x6: {  	_ = 	snop  }
0x7: {  	_ = 	snop  }
__scs_overlays_trampoline_lowered:
0x8: {  	[smem:$0x3FAD] =	sst s0  }
0x9: {  	[smem:$0x3FAE] =	sst s1  }
0xa: {  	[smem:$0x3FAF] =	sst s2  }
0xb: {  	[smem:$0x3FB0] =	sst s3  }
0xc: {  	[smem:$0x3FB1] =	sst s4  }
0xd: {  	[smem:$0x3FB2] =	sst s5  }
0xe: {  	[smem:$0x3FB3] =	sst s6  }
0xf: {  	[smem:$0x3FB4] =	sst s7  }
0x10: {  	[smem:$0x3FB5] =	sst s8  }
0x11: {  	[smem:$0x3FB6] =	sst s9;
	s0 =	simm.s32 @!p0 $0x0  }
0x12: {  	s1 =	sld [smem:$0x3F9C];
	s0 =	simm.s32 @p0 $0x1  }
0x13: {  	[smem:$0x3FB7] =	sst s0;
	s0 =	simm.s32 @!p1 $0x0  }
0x14: {  	s2 =	sld [smem:$0x3F9B];
	s0 =	simm.s32 @p1 $0x1  }
0x15: {  	[smem:$0x3FB8] =	sst s0;
	s0 =	simm.s32 @!p2 $0x0  }
0x16: {  	s3 =	sld [smem:$0x3FDB];
	s0 =	simm.s32 @p2 $0x1  }
0x17: {  	s4 =	simm.s32 $0x1BF5;
	[smem:$0x3FBA] =	sst s0  }
0x18: {  	s0 =	sld [smem:$0x3F9D];
	_ =	swait.ge [sflag:s4], $0x0  }
0x19: {  	s7 =	sld [smem:$0x3F9E]  }
0x1a: {  	s8 =	sadd.s32 $0xFFFFE003, lr  }
0x1b: {  	s9 =	sadd.s32 $0xFFFFFEF7, lr;
	s5 =	simm.s32 $0xFFFFFFFF;
	p2 =	slt.u32 s8, $0xFFFFF086  }
0x1c: {  	p1 =	slt.u32 s9, $0xF7A;
	s5 =	simm.s32 @!p2 $0x0  }
0x1d: {  	s5 =	simm.s32 @p1 $0x1;
	p0 =	seq.s32 s7, s2  }
0x1e: {  	s7 =	smul.u32 @!p0 $0xF7A, s2;
	p2 =	seq.s32 @!p0 s5, $0x0  }
0x1f: {  	s9 =	smul.u32 $0xF7A, s1;
	s8 =	simm.s32 @!p0 $0x1BF5;
	p2 =	por !p2, p0  }
0x20: {  	[sflag:s8] =	ssyncset.s32 @!p0 $0xFFFFF086;
	s6 =	sadd.s32 @!p0 s3, s7;
	s7 =	simm.s32 @!p0 $0x108  }
0x21: {  	s3 =	sadd.s32 s3, s9;
	s6 =	sadd.s32 @!p0 $0x88, s6;
	s7 =	simm.s32 @p2 $0x1082  }
0x22: {  	[simem:s7], [sflag:s8] =	dma.local @!p0 [hbm:s6], $0xF7A  }
0x23: {  	s9 =	sor.u32 $0xD0000000, s2;
	s6 =	simm.s32 $0x108;
	_ =	swait.ge @!p0 [sflag:s8], $0x0  }
0x24: {  	s3 =	sadd.s32 $0x88, s3;
	s6 =	simm.s32 @!p1 $0x1082;
	[sflag:s4] =	ssyncset.s32 $0xFFFFF086  }
0x25: {  	[simem:s6], [sflag:s4] =	dma.local [hbm:s3], $0xF7A  }
0x26: {  	[smem:$0x3F9E] =	sst s1;
	(tag) =	ssettag s2;
	_ =	strace s9  }
0x27: {  	s1 =	sld [smem:$0x3FAE]  }
0x28: {  	s2 =	sld [smem:$0x3FAF]  }
0x29: {  	s4 =	sld [smem:$0x3FB1]  }
0x2a: {  	p0 =	seq.s32 s5, $0x0;
	s5 =	sld [smem:$0x3FB2]  }
0x2b: {  	s6 =	sld [smem:$0x3FB3]  }
0x2c: {  	s7 =	sld [smem:$0x3FB4]  }
0x2d: {  	s3 =	simm.s32 $0x108;
	s8 =	sld [smem:$0x3FB5]  }
0x2e: {  	s3 =	simm.s32 @!p0 $0x1082;
	s9 =	sld [smem:$0x3FB6]  }
0x2f: {  	lr =	sadd.s32 s0, s3;
	s0 =	sld [smem:$0x3FAD]  }
0x30: {  	s3 =	sld [smem:$0x3FB0]  }
0x31: {  	[smem:$0x3FB9] =	sst s10  }
0x32: {  	s10 =	sld [smem:$0x3FB7];
	_ =	sdelay $0x3  }
0x33: {  	p0 =	seq.s32 s10, $0x1;
	s10 =	sld [smem:$0x3FB9];
	_ =	sdelay $0x3  }
0x34: {  	[smem:$0x3FB9] =	sst s10  }
0x35: {  	s10 =	sld [smem:$0x3FB8];
	_ =	sdelay $0x3  }
0x36: {  	p1 =	seq.s32 s10, $0x1;
	s10 =	sld [smem:$0x3FB9];
	_ =	sdelay $0x3  }
0x37: {  	[smem:$0x3FB9] =	sst s10  }
0x38: {  	s10 =	sld [smem:$0x3FBA]  }
0x39: {  	_ = 	snop;
	(pc) =	sbr.ind lr, $3  }
0x3a: {  	_ = 	snop  }
0x3b: {  	_ = 	snop  }
0x3c: {  	p2 =	seq.s32 s10, $0x1;
	s10 =	sld [smem:$0x3FB9]  }
0x3d: {  	_ =	shalt  }
0x3e: {  	_ =	shalt  }
0x3f: {  	_ =	shalt  }
0x40: {  	_ =	shalt  }
0x41: {  	_ =	shalt  }
0x42: {  	_ =	shalt  }
0x43: {  	_ =	shalt  }
0x44: {  	_ =	shalt  }
0x45: {  	_ =	shalt  }
0x46: {  	_ =	shalt  }
0x47: {  	_ =	shalt  }
0x48: {  	_ =	shalt  }
0x49: {  	_ =	shalt  }
0x4a: {  	_ =	shalt  }
0x4b: {  	_ =	shalt  }
0x4c: {  	_ =	shalt  }
0x4d: {  	_ =	shalt  }
0x4e: {  	_ =	shalt  }
0x4f: {  	_ =	shalt  }
0x50: {  	_ =	shalt  }
0x51: {  	_ =	shalt  }
0x52: {  	_ =	shalt  }
0x53: {  	_ =	shalt  }
0x54: {  	_ =	shalt  }
0x55: {  	_ =	shalt  }
0x56: {  	_ =	shalt  }
0x57: {  	_ =	shalt  }
0x58: {  	_ =	shalt  }
0x59: {  	_ =	shalt  }
0x5a: {  	_ =	shalt  }
0x5b: {  	_ =	shalt  }
0x5c: {  	_ =	shalt  }
0x5d: {  	_ =	shalt  }
0x5e: {  	_ =	shalt  }
0x5f: {  	_ =	shalt  }
0x60: {  	_ =	shalt  }
0x61: {  	_ =	shalt  }
0x62: {  	_ =	shalt  }
0x63: {  	_ =	shalt  }
0x64: {  	_ =	shalt  }
0x65: {  	_ =	shalt  }
0x66: {  	_ =	shalt  }
0x67: {  	_ =	shalt  }
0x68: {  	_ =	shalt  }
0x69: {  	_ =	shalt  }
0x6a: {  	_ =	shalt  }
0x6b: {  	_ =	shalt  }
0x6c: {  	_ =	shalt  }
0x6d: {  	_ =	shalt  }
0x6e: {  	_ =	shalt  }
0x6f: {  	_ =	shalt  }
0x70: {  	_ =	shalt  }
0x71: {  	_ =	shalt  }
0x72: {  	_ =	shalt  }
0x73: {  	_ =	shalt  }
0x74: {  	_ =	shalt  }
0x75: {  	_ =	shalt  }
0x76: {  	_ =	shalt  }
0x77: {  	_ =	shalt  }
0x78: {  	_ =	shalt  }
0x79: {  	_ =	shalt  }
0x7a: {  	_ =	shalt  }
0x7b: {  	_ =	shalt  }
0x7c: {  	_ =	shalt  }
0x7d: {  	_ =	shalt  }
0x7e: {  	_ =	shalt  }
0x7f: {  	_ =	shalt  }
0x80: {  	_ =	shalt  }
0x81: {  	_ =	shalt  }
0x82: {  	_ =	shalt  }
0x83: {  	_ =	shalt  }
0x84: {  	_ =	shalt  }
0x85: {  	_ =	shalt  }
0x86: {  	_ =	shalt  }
0x87: {  	_ =	shalt  }
.Lfunc_end0:
.L_simem_size_0:
called_computation_lowered:
.L_overlay_start_0:
0x88: {  	s2 =	sld [smem:$0x3FD9]  }
0x89: {  	s3 =	sld [smem:$0x3FFE];
	_ =	sdelay $0x1  }
0x8a: {  	s1 =	srdreg.scid  }
0x8b: {  	s0 =	sand.u32 $0x1, s1  }
0x8c: {  	s17 =	sshll.u32 s0, $0xA;
	s2 =	sadd.s32 s3, s2  }
0x8d: {  	s2 =	sadd.s32 s2, s17  }
0x8e: {  	[smem:$0x3FC5] =	sst s2  }
0x8f: {  	_ = 	snop  }
0x90: {  	s2 =	sld [smem:$0x3FC9]  }
0x91: {  	s18 =	sld [smem:$0x3FC7];
	(tm) =	ssettm $0x1  }
0x92: {  	s4 =	sld [smem:$0x3FFB];
	_ =	sdelay $0x3  }
0x93: {  	_ =	strace s4  }
0x94: {  	s4 =	sld [smem:$0x3FFC];
	_ =	sdelay $0x3  }
0x95: {  	_ =	strace s4  }
0x96: {  	s4 =	sld [smem:$0x3FFD];
	_ =	sdelay $0x3  }
0x97: {  	_ =	strace s4  }
0x98: {  	_ =	strace $0x8FFFFFFF  }
0x99: {  	s19 =	sld [smem:$0x3FDB];
	_ =	sdelay $0x1  }
0x9a: {  	s5 =	simm.s32 $_scs_section_size  }
0x9b: {  	s6 =	simm.s32 $_size__tile_overlayer_lowered;
	s7 =	simm.s32 $_tile_overlayer_lowered  }
0x9c: {  	s22 =	simm.s32 $0x1BFF;
	s21 =	sshll.u32 s7, $0x1;
	s4 =	sadd.s32 s5, s19  }
0x9d: {  	s8 =	simm.s32 $0x0;
	s20 =	sshll.u32 s6, $0x1;
	s6 =	sadd.s32 s21, s4  }
0x9e: {  	[timem:s8], [sflag:s22] =	dma.local [hbm:s6], s20  }
0x9f: {  	_ =	swait.ge [sflag:s22], s20  }
0xa0: {  	s5 =	ssub.s32 $0x0, s20;
	[sflag:s22] =	ssyncset.done $0x0  }
0xa1: {  	[sflag:s22] =	ssyncadd.s32 s5;
	_ =	sdelay $0x1  }
0xa2: {  	s23 =	simm.s32 $0x1B8B  }
0xa3: {  	_ =	swait.ge [sflag:s23], $0x1  }
0xa4: {  	[sflag:s23] =	ssyncset.done $0x0  }
0xa5: {  	s25 =	simm.s32 $0x1B8E;
	s24 =	sld [smem:$0x3FFE];
	[sflag:s23] =	ssyncadd.s32 $0xFFFFFFFF  }
0xa6: {  	s26 =	simm.s32 $execute0_lowered;
	[smem:$0x3FD2] =	sst s25  }
0xa7: {  	s6 =	sshll.u32 s26, $0x1;
	_ =	strace $0x80000046;
	[dreg:$0x1] =	wrdreg $0xFFFFFFFF  }
0xa8: {  	s28 =	simm.s32 $_size_execute0_lowered;
	s4 =	sadd.s32 s4, s6;
	[dreg:$0x0] =	wrdreg $0x0  }
0xa9: {  	s6 =	sshll.u32 s28, $0x1;
	[dreg:$0x2] =	wrdreg s4  }
0xaa: {  	[dreg:$0x3] =	wrdreg s6  }
0xab: {  	[dreg:$0x4] =	wrdreg $0xC0  }
0xac: {  	_ =	task [dreg:s8], $0x5FFFF  }
0xad: {  	[dreg:$0x1] =	wrdreg $0xFFFFFFFF  }
0xae: {  	[dreg:$0x0] =	wrdreg $0x60  }
0xaf: {  	[dreg:$0x2] =	wrdreg s2  }
0xb0: {  	[dreg:$0x3] =	wrdreg s24  }
0xb1: {  	[dreg:$0x4] =	wrdreg s18  }
0xb2: {  	[dreg:$0x5] =	wrdreg $0x9  }
0xb3: {  	_ =	task.clear_ibuf [dreg:s8], $0x6FFFF;
	_ =	strace $0x90000046  }
0xb4: {  	s29 =	simm.s32 $0x9;
	_ =	strace $0x80000048  }
0xb5: {  	_ =	swait.ge [sflag:s29], $0x1  }
0xb6: {  	[sflag:s29] =	ssyncadd.s32 $0xFFFFFFFF  }
0xb7: {  	_ =	strace $0x90000048  }
0xb8: {  	_ =	sfence  }
0xb9: {  	s30 =	sld [smem:$0x0];
	_ =	sdelay $0x2  }
0xba: {  	s31 =	sshll.u32 s1, $0xD;
	s1 =	sshrl.u32 s1, $0x2  }
0xbb: {  	s3 =	sand.u32 $0x4000, s31;
	s1 =	sadd.s32 s1, s30  }
0xbc: {  	s0 =	sor.u32 s3, s0;
	s1 =	sshll.u32 s1, $0x11  }
0xbd: {  	s0 =	sor.u32 s1, s0  }
0xbe: {  	s0 =	sadd.s32 $0x8F2B, s0  }
0xbf: {  	[sflag:s0] =	ssyncadd.remote.s32 $0x1  }
0xc0: {  	_ =	sfence.sel $0xFFFF  }
0xc1: {  	[dreg:$0x0] =	wrdreg $0xFFFFFFFF;
	(pc) =	sbr.abs _section_cstart, $3  }
0xc2: {  	[dreg:$0x1] =	wrdreg $0xFFFFFFFF  }
0xc3: {  	_ =	task.clear_ibuf [dreg:s8], $0x2FFFF;
	_ =	strace $0x9FFFFFFF  }
0xc4: {  	(tm) =	ssettm $0x7FFFFFFF  }
0xc5: {  	_ =	shalt  }
tec
execute0_lowered:
.L_overlay_start_1:
0x0: {  	(tag) =	ssettag $0x1  }
0x1: {  	v0 =	vimm.s32 $0xFFEDCBA9  }
0x2: {  	v1 =	vimm.s32 $0x87654321;
	v2 =	vimm.s32 $0x1C1B1A19;
	v3 =	vimm.s32 $0x1F1F1E1D  }
0x3: {  	vm0 =	vcmask $0x1F10;
	v4 =	vimm.s32 $0x14131211;
	v5 =	vimm.s32 $0x18171615  }
0x4: {  	v6 =	vimm.s32 $0x2C2B2A29;
	v7 =	vimm.s32 $0x2F2F2E2D;
	v8 =	vimm.s32 $0x24232221  }
0x5: {  	v9 =	vimm.s32 $0x28272625;
	v11 =	vimm.s32 $0x58575655;
	v12 =	vimm.s32 $0x7F7F7E7D  }
0x6: {  	v13 =	vimm.s32 $0x74737271;
	v14 =	vimm.s32 $0x78777675;
	v0 =	vunpack.c.l.s4.s8 v0  }
0x7: {  	v1 =	vunpack.c.l.s4.s8 v1;
	v2 =	vunpack.c.0.s8.s32 v2;
	v3 =	vunpack.c.0.s8.s32 v3  }
0x8: {  	v4 =	vunpack.c.0.s8.s32 v4;
	v5 =	vunpack.c.0.s8.s32 v5;
	v6 =	vunpack.c.0.s8.s32 v6  }
0x9: {  	v7 =	vunpack.c.0.s8.s32 v7;
	v0 =	vunpack.c.0.s8.s32 v0;
	v1 =	vunpack.c.0.s8.s32 v1  }
0xa: {  	v8 =	vunpack.c.0.s8.s32 v8;
	v9 =	vunpack.c.0.s8.s32 v9;
	v12 =	vunpack.c.0.s8.s32 v12  }
0xb: {  	v62 =	vunpack.c.0.s8.s32 v14;
	v10 =	vcombine.low v1, v0;
	v0 =	vsel vm0, v3, v2  }
0xc: {  	v1 =	vsel vm0, v5, v4;
	v2 =	vsel vm0, v7, v6;
	v3 =	vsel vm0, v9, v8  }
0xd: {  	v4 =	vimm.s32 $0x3C3B3A39;
	v5 =	vimm.s32 $0x3F3F3E3D;
	v6 =	vimm.s32 $0x34333231  }
0xe: {  	v7 =	vimm.s32 $0x38373635;
	v8 =	vimm.s32 $0x4C4B4A49;
	v9 =	vimm.s32 $0x4F4F4E4D  }
0xf: {  	s0 =	rddreg [dreg:$0x0];
	v4 =	vunpack.c.0.s8.s32 v4;
	v5 =	vunpack.c.0.s8.s32 v5;
	v6 =	vunpack.c.0.s8.s32 v6  }
0x10: {  	s1 =	srdreg.scid;
	s3 =	rddreg [dreg:$0x1];
	v7 =	vunpack.c.0.s8.s32 v7;
	v8 =	vunpack.c.0.s8.s32 v8;
	v9 =	vunpack.c.0.s8.s32 v9  }
0x11: {  	s17 =	simm.s32 $0x4000;
	s18 =	simm.s32 $0x8000;
	s19 =	simm.s32 $0xC000;
	v0 =	vcombine.low v1, v0;
	v1 =	vcombine.low v3, v2;
	v2 =	vsel vm0, v5, v4  }
0x12: {  	s20 =	simm.s32 $0x10000;
	s21 =	simm.s32 $0x14000;
	s23 =	simm.s32 $0x18000;
	v3 =	vsel vm0, v7, v6;
	v4 =	vsel vm0, v9, v8;
	v5 =	vimm.s32 $0x44434241  }
0x13: {  	s2 =	stileid.u32;
	s14 =	rddreg [dreg:$0x2];
	s22 =	simm.s32 $0x1;
	v6 =	vimm.s32 $0x48474645;
	v7 =	vimm.s32 $0x5C5B5A59;
	v8 =	vimm.s32 $0x5F5F5E5D  }
0x14: {  	s24 =	simm.s32 $0x2;
	s1 =	sand.u32 $0x1, s1;
	s2 =	sshll.u32 s2, $0x1;
	v9 =	vimm.s32 $0x54535251;
	v5 =	vunpack.c.0.s8.s32 v5;
	v6 =	vunpack.c.0.s8.s32 v6  }
0x15: {  	s28 =	simm.s32 $0x3;
	s29 =	simm.s32 $0x0;
	s2 =	sor.u32 s1, s2;
	v7 =	vunpack.c.0.s8.s32 v7;
	v8 =	vunpack.c.0.s8.s32 v8;
	v2 =	vcombine.low v3, v2  }
0x16: {  	s13 =	sadd.s32 $0x600, s3;
	s1 =	ssub.s32 $0x2, s1;
	s11 =	sshll.u32 s2, $0xD;
	v5 =	vsel vm0, v6, v5;
	v6 =	vunpack.c.0.s8.s32 v9;
	v9 =	vunpack.c.0.s8.s32 v11  }
0x17: {  	s4 =	sshll.u32 s2, $0x7;
	s2 =	simm.s32 $0x0;
	s31 =	sshrl.u32 s1, $0x1;
	v11 =	vimm.s32 $0x7C7B7A79;
	v3 =	vcombine.low v5, v4;
	v4 =	vsel vm0, v8, v7  }
0x18: {  	s4 =	sor.u32 s4, s11;
	[smem:$0x7FF] =	sst s2;
	s1 =	ssub.s32 s1, s31;
	v7 =	vimm.s32 $0x6F6F6E6D;
	v8 =	vimm.s32 $0x64636261;
	v5 =	vsel vm0, v9, v6  }
0x19: {  	s8 =	sor.u32 $0x800, s11;
	s5 =	sadd.s32 s14, s11;
	s12 =	sor.u32 $0x1000, s11;
	v6 =	vimm.s32 $0x6C6B6A69;
	v7 =	vunpack.c.0.s8.s32 v7;
	v9 =	vimm.s32 $0x68676665  }
0x1a: {  	s16 =	sor.u32 $0x1800, s11;
	s4 =	sand.u32 $0x30380, s4;
	_ =	strace $0x80000047;
	v8 =	vunpack.c.0.s8.s32 v8;
	v6 =	vunpack.c.0.s8.s32 v6;
	v9 =	vunpack.c.0.s8.s32 v9  }
0x1b: {  	s6 =	sadd.s32 s0, s8;
	s7 =	sadd.s32 s13, s8;
	s8 =	sadd.s32 s14, s8;
	v11 =	vunpack.c.0.s8.s32 v11;
	v4 =	vcombine.low v5, v4;
	v5 =	vunpack.c.0.s8.s32 v13  }
0x1c: {  	vm1 =	vcmask $0x300;
	s9 =	sadd.s32 s0, s12;
	s10 =	sadd.s32 s13, s12;
	s4 =	sshrl.u32 s4, $0x3;
	v63 =	vsel vm0, v7, v6;
	v8 =	vsel vm0, v9, v8  }
0x1d: {  	s15 =	sadd.s32 s4, s3;
	s3 =	sadd.s32 s0, s11;
	s4 =	sadd.s32 s13, s11;
	v9 =	vsel vm0, v12, v11;
	v6 =	vimm.s32 $0x0;
	v11 =	vsel vm0, v62, v5  }
0x1e: {  	s11 =	sadd.s32 s14, s12;
	s12 =	sadd.s32 s0, s16;
	s13 =	sadd.s32 s13, s16;
	v5 =	vimm.f32 $0.0e+00;
	v7 =	vand.u32 $0xF, v10;
	vm0 =	vcmask $0x3F3C  }
0x1f: {  	s14 =	sadd.s32 s14, s16;
	s16 =	smax.u32 s1, $0x1;
	s15 =	sadd.s32 $0x40600, s15;
	v6 =	vsel vm1, $0x7, v6;
	v8 =	vcombine.low v8, v63;
	v9 =	vcombine.low v11, v9  }
.LBB2_1:
0x20: {  	[tilespmem:s2], [sflag:$0x1] =	stream.linear.gather [hbm4b:s3+s2], $0x4000, $0x38;
	[tilespmem:$0x1A000] =	vst v63  }
0x21: {  	_ = 	snop  }
0x22: {  	[tilespmem:s17], [sflag:$0x1] =	stream.linear.gather [hbm4b:s4+s2], $0x4000, $0x38;
	[tilespmem:$0x1A000] =	vst v63  }
0x23: {  	s0 =	simm.s32 $0x40;
	s1 =	simm.s32 $0x0  }
0x24: {  	[tilespmem:s18], [sflag:$0x1] =	stream.linear.gather [hbm4b:s5+s2], $0x4000, $0x38;
	[tilespmem:$0x1A000] =	vst v63  }
.LBB2_2:
0x25: {  	p0 =	sne.s32 s0, $0x7FC0;
	[tilespmem:s1+$0x18000] =	vst v5;
	s1 =	smov.u32 s0;
	s0 =	sadd.s32 $0x40, s0  }
.Ltmp0:
0x26: {  	(pc) =	sbr.rel @p0 .LBB2_2-.Ltmp0, $2  }
0x27: {  	_ =	sdelay $0x2  }
0x28: {  	s1 =	sshra.s32 s1, $0x2  }
0x29: {  	[tilespmem:s1+$0x18000] =	vst v5;
	s0 =	simm.s32 $0x0  }
0x2a: {  	[tilespmem:s19], [sflag:$0x2] =	stream.linear.gather [hbm4b:s6+s0], $0x4000, $0x38;
	[tilespmem:$0x1A000] =	vst v63  }
0x2b: {  	s26 =	simm.s32 $0x10;
	s30 =	simm.s32 $0x20;
	s25 =	simm.s32 $0x30  }
0x2c: {  	v10 =	vmov s0;
	[tilespmem:s20], [sflag:$0x2] =	stream.linear.gather [hbm4b:s7+s0], $0x4000, $0x38;
	[tilespmem:$0x1A000] =	vst v63  }
0x2d: {  	s1 =	simm.s32 $0x60;
	v11 =	vmov s26;
	v12 =	vmov s30;
	s30 =	simm.s32 $0x40;
	v13 =	vmov s25  }
0x2e: {  	v16 =	vmov s1;
	v10 =	vshrl.u32 v10, $0x7;
	v14 =	vmov s30;
	[tilespmem:s21], [sflag:$0x2] =	stream.linear.gather [hbm4b:s8+s0], $0x4000, $0x38;
	[tilespmem:$0x1A000] =	vst v63  }
0x2f: {  	s26 =	simm.s32 $0x50;
	v11 =	vshrl.u32 v11, $0x7;
	v12 =	vshrl.u32 v12, $0x7;
	v13 =	vshrl.u32 v13, $0x7;
	_ =	swait.ge [sflag:s22], $0x4000  }
0x30: {  	v15 =	vmov s26;
	v16 =	vshrl.u32 v16, $0x7;
	v10 =	vshll.u32 v10, v6;
	[sflag:s22] =	ssyncset.done $0x0  }
0x31: {  	v14 =	vshrl.u32 v14, $0x7;
	v11 =	vshll.u32 v11, v6;
	v10 =	vbroadcast v10, $0x0;
	[sflag:s22] =	ssyncadd.s32 $0xFFFFC000  }
0x32: {  	v12 =	vshll.u32 v12, v6;
	v13 =	vshll.u32 v13, v6;
	v11 =	vbroadcast v11, $0x0;
	_ =	swait.ge [sflag:s22], $0x4000  }
0x33: {  	v15 =	vshrl.u32 v15, $0x7;
	v12 =	vbroadcast v12, $0x0;
	v10 =	vor.u32 v7, v10;
	[sflag:s22] =	ssyncset.done $0x0  }
0x34: {  	v13 =	vbroadcast v13, $0x0;
	v14 =	vshll.u32 v14, v6;
	v11 =	vor.u32 v0, v11;
	[sflag:s22] =	ssyncadd.s32 $0xFFFFC000  }
0x35: {  	v15 =	vshll.u32 v15, v6;
	v14 =	vbroadcast v14, $0x0;
	v12 =	vor.u32 v1, v12;
	_ =	swait.ge [sflag:s22], $0x4000  }
0x36: {  	v17 =	vbroadcast v15, $0x0;
	v15 =	vshll.u32 v16, v6;
	v13 =	vor.u32 v2, v13;
	[sflag:s22] =	ssyncset.done $0x0  }
0x37: {  	v16 =	vbroadcast v15, $0x0;
	v14 =	vor.u32 v3, v14;
	[sflag:s22] =	ssyncadd.s32 $0xFFFFC000  }
0x38: {  	v15 =	vld.idx.msk [tilespmem:v10+s18+$0x0], $0xffff;
	v10 =	vor.u32 v4, v17  }
0x39: {  	v18 =	vld.idx.msk [tilespmem:v11+s18+$0x0], $0xffff;
	v11 =	vor.u32 v8, v16  }
0x3a: {  	v19 =	vld.idx.msk [tilespmem:v12+s18+$0x0], $0xffff  }
0x3b: {  	v20 =	vld.idx.msk [tilespmem:v13+s18+$0x0], $0xffff  }
0x3c: {  	s25 =	simm.s32 $0x70;
	v21 =	vld.idx.msk [tilespmem:v14+s18+$0x0], $0xffff  }
0x3d: {  	v12 =	vmov s25;
	v17 =	vld.idx.msk [tilespmem:v10+s18+$0x0], $0xffff  }
0x3e: {  	s31 =	simm.s32 $0x40;
	v12 =	vshrl.u32 v12, $0x7;
	v16 =	vld.idx.msk [tilespmem:v11+s18+$0x0], $0xffff  }
0x3f: {  	s1 =	simm.s32 $0x4040;
	v10 =	vshll.u32 v12, v6;
	v11 =	vld [tilespmem:s31+$0x30]  }
0x40: {  	v12 =	vld [tilespmem:s1+$0x30];
	v10 =	vbroadcast v10, $0x0  }
0x41: {  	v13 =	vld [tilespmem:s1+$0xFFFFFFC0]  }
0x42: {  	v14 =	vld [tilespmem:s31+$0xFFFFFFD0];
	v10 =	vor.u32 v9, v10  }
0x43: {  	v22 =	vld [tilespmem:s1+$0xFFFFFFD0]  }
0x44: {  	v23 =	vld [tilespmem:s31+$0xFFFFFFE0]  }
0x45: {  	s30 =	simm.s32 $0x8040;
	v24 =	vld [tilespmem:s1+$0xFFFFFFE0];
	v11 =	vmul.f32 v12, v11  }
0x46: {  	v12 =	vld [tilespmem:s30+$0x30]  }
0x47: {  	(xrf2) =	vadd.scan.msk.f32 $0xffff, v11;
	v10 =	vld.idx.msk [tilespmem:v10+s18+$0x0], $0xffff  }
0x48: {  	v25 =	vld [tilespmem:s1+$0xFFFFFFF0]  }
0x49: {  	v26 =	vld [tilespmem:s31+$0x0]  }
0x4a: {  	v27 =	vld [tilespmem:s1+$0x0]  }
0x4b: {  	v28 =	vld [tilespmem:s31+$0x10]  }
0x4c: {  	v29 =	vld [tilespmem:s1+$0x10];
	vm1 =	vne.s32 v12, v10  }
0x4d: {  	v14 =	vmul.f32 v22, v14;
	v11 =	vld [tilespmem:s31+$0xFFFFFFF0];
	vm2 =	vmor vm1, vm0  }
0x4e: {  	s25 =	simm.s32 $0x90;
	v34 =	vld [tilespmem:s31+$0xFFFFFFC0]  }
0x4f: {  	s26 =	simm.s32 $0x80;
	v35 =	vld [tilespmem:s30+$0xFFFFFFD0];
	v30 =	vmov s25;
	v23 =	vmul.f32 v24, v23;
	(xrf2) =	vadd.scan.msk.f32 $0xffff, v14  }
0x50: {  	v45 =	vmov s26;
	s26 =	simm.s32 $0xA0;
	v44 =	vld [tilespmem:s31+$0x20];
	v30 =	vshrl.u32 v30, $0x7  }
0x51: {  	v32 =	vmov s26;
	v50 =	vld [tilespmem:s30+$0xFFFFFFE0];
	v47 =	vshll.u32 v30, v6;
	v24 =	vshrl.u32 v45, $0x7;
	v46, _, _ =	vpop (xrf2);
	(xrf2) =	vadd.scan.msk.f32 $0xffff, v23  }
0x52: {  	v51 =	vld [tilespmem:s30+$0xFFFFFFF0];
	v26 =	vmul.f32 v27, v26;
	v11 =	vmul.f32 v25, v11;
	v36 =	vsub.f32 $0.0e+00, v46  }
0x53: {  	s26 =	simm.s32 $0xC0;
	v13 =	vmul.f32 v13, v34;
	v24 =	vshll.u32 v24, v6;
	v25 =	vbroadcast v47, $0x0;
	[tilespmem:v12+s23+$0x0] =	vst.idx.add.f32.msk vm2, v46  }
0x54: {  	v14 =	vmov s26;
	(xrf2) =	vadd.scan.msk.f32 $0xffff, v11;
	[tilespmem:v10+s23+$0x0] =	vst.idx.add.f32.msk vm1, v36;
	vm1 =	vne.s32 v35, v18  }
0x55: {  	v31 =	vld [tilespmem:s1+$0x20];
	v14 =	vshrl.u32 v14, $0x7;
	v25 =	vor.u32 v0, v25;
	vm2 =	vmor vm1, vm0  }
0x56: {  	v52 =	vld [tilespmem:s30+$0x0];
	s25 =	simm.s32 $0xB0;
	v24 =	vbroadcast v24, $0x0;
	v11 =	vshll.u32 v14, v6;
	v14 =	vmul.f32 v29, v28;
	(xrf2) =	vadd.scan.msk.f32 $0xffff, v26  }
0x57: {  	v48 =	vld [tilespmem:s30+$0xFFFFFFC0];
	v33 =	vmov s25;
	vm3 =	vne.s32 v50, v19;
	(xrf2) =	vadd.scan.msk.f32 $0xffff, v13  }
0x58: {  	v54 =	vld [tilespmem:s30+$0x10];
	vm5 =	vne.s32 v51, v20;
	vm4 =	vmor vm3, vm0;
	v49 =	vor.u32 v7, v24;
	(xrf2) =	vadd.scan.msk.f32 $0xffff, v14  }
0x59: {  	v55 =	vld [tilespmem:s30+$0x20];
	vm6 =	vmor vm5, vm0;
	v57, _, _ =	vpop (xrf2);
	v12 =	vshrl.u32 v33, $0x7  }
0x5a: {  	v58 =	vsub.f32 $0.0e+00, v57;
	v13 =	vmul.f32 v31, v44;
	v10 =	vshll.u32 v12, v6;
	v14 =	vld.idx.msk [tilespmem:v25+s18+$0x0], $0xffff  }
0x5b: {  	vm7 =	vne.s32 v52, v21;
	v10 =	vbroadcast v10, $0x0;
	v59, _, _ =	vpop (xrf2);
	[tilespmem:v35+s23+$0x0] =	vst.idx.add.f32.msk vm2, v57  }
0x5c: {  	(xrf2) =	vadd.scan.msk.f32 $0xffff, v13;
	vm2 =	vmor vm7, vm0;
	[tilespmem:v18+s23+$0x0] =	vst.idx.add.f32.msk vm1, v58;
	v18 =	vsub.f32 $0.0e+00, v59  }
0x5d: {  	v53 =	vor.u32 v2, v10;
	v10 =	vld.idx.msk [tilespmem:v49+s18+$0x0], $0xffff;
	vm1 =	vne.s32 v54, v17  }
0x5e: {  	v32 =	vshrl.u32 v32, $0x7;
	v60, _, _ =	vpop (xrf2);
	[tilespmem:v50+s23+$0x0] =	vst.idx.add.f32.msk vm4, v59;
	vm8 =	vmor vm1, vm0  }
0x5f: {  	v32 =	vshll.u32 v32, v6;
	v11 =	vbroadcast v11, $0x0;
	v61 =	vsub.f32 $0.0e+00, v60;
	[tilespmem:v51+s23+$0x0] =	vst.idx.add.f32.msk vm6, v60  }
0x60: {  	v12 =	vbroadcast v32, $0x0;
	[tilespmem:v19+s23+$0x0] =	vst.idx.add.f32.msk vm3, v18;
	v18, _, _ =	vpop (xrf2)  }
0x61: {  	vm13 =	vne.s32 v55, v16;
	v56 =	vor.u32 v3, v11;
	[tilespmem:v20+s23+$0x0] =	vst.idx.add.f32.msk vm5, v61;
	v19 =	vsub.f32 $0.0e+00, v18;
	v62, _, _ =	vpop (xrf2)  }
0x62: {  	s25 =	simm.s32 $0xD0;
	v12 =	vor.u32 v1, v12;
	vm3 =	vmor vm13, vm0;
	[tilespmem:v52+s23+$0x0] =	vst.idx.add.f32.msk vm2, v18;
	v20, _, _ =	vpop (xrf2)  }
0x63: {  	s26 =	simm.s32 $0xE0;
	v18 =	vsub.f32 $0.0e+00, v20;
	[tilespmem:v21+s23+$0x0] =	vst.idx.add.f32.msk vm7, v19;
	v19 =	vmov s25  }
0x64: {  	vm14 =	vne.s32 v48, v15;
	v63 =	vmov s26;
	[tilespmem:v54+s23+$0x0] =	vst.idx.add.f32.msk vm8, v20;
	v19 =	vshrl.u32 v19, $0x7  }
0x65: {  	vm15 =	vmor vm14, vm0;
	v21 =	vshrl.u32 v63, $0x7;
	[tilespmem:v17+s23+$0x0] =	vst.idx.add.f32.msk vm1, v18;
	v18 =	vshll.u32 v19, v6  }
0x66: {  	v13 =	vld.idx.msk [tilespmem:v56+s18+$0x0], $0xffff;
	v20, _, _ =	vpop (xrf2);
	v19 =	vshll.u32 v21, v6;
	v18 =	vbroadcast v18, $0x0  }
0x67: {  	v12 =	vld.idx.msk [tilespmem:v12+s18+$0x0], $0xffff;
	v17 =	vsub.f32 $0.0e+00, v20;
	v19 =	vbroadcast v19, $0x0  }
0x68: {  	[tilespmem:v55+s23+$0x0] =	vst.idx.add.f32.msk vm3, v20;
	v18 =	vor.u32 v4, v18  }
0x69: {  	[tilespmem:v16+s23+$0x0] =	vst.idx.add.f32.msk vm13, v17;
	v17 =	vor.u32 v8, v19  }
0x6a: {  	v11 =	vld.idx.msk [tilespmem:v53+s18+$0x0], $0xffff;
	v20 =	vsub.f32 $0.0e+00, v62  }
0x6b: {  	s26 =	simm.s32 $0xF0;
	[tilespmem:v48+s23+$0x0] =	vst.idx.add.f32.msk vm15, v62  }
0x6c: {  	s0 =	simm.s32 $0x100;
	[tilespmem:v15+s23+$0x0] =	vst.idx.add.f32.msk vm14, v20;
	v19 =	vmov s26  }
.LBB2_4:
0x6d: {  	p0 =	slt.u32 s0, $0x3F80;
	v16 =	vld.idx.msk [tilespmem:v18+s18+$0x0], $0xffff;
	v18 =	vshrl.u32 v19, $0x7  }
0x6e: {  	s31 =	sadd.s32 $0x80, s31;
	v15 =	vld.idx.msk [tilespmem:v17+s18+$0x0], $0xffff;
	v17 =	vshll.u32 v18, v6  }
0x6f: {  	s1 =	sadd.s32 $0x80, s1;
	v18 =	vld [tilespmem:s31+$0x30];
	v17 =	vbroadcast v17, $0x0  }
0x70: {  	v19 =	vld [tilespmem:s1+$0x30]  }
0x71: {  	v20 =	vld [tilespmem:s1+$0xFFFFFFC0];
	v17 =	vor.u32 v9, v17  }
0x72: {  	v21 =	vld [tilespmem:s31+$0xFFFFFFD0]  }
0x73: {  	v22 =	vld [tilespmem:s1+$0xFFFFFFD0]  }
0x74: {  	v23 =	vld [tilespmem:s31+$0xFFFFFFE0]  }
0x75: {  	v24 =	vld [tilespmem:s1+$0xFFFFFFE0];
	v18 =	vmul.f32 v19, v18  }
0x76: {  	s30 =	sadd.s32 $0x80, s30;
	v17 =	vld.idx.msk [tilespmem:v17+s18+$0x0], $0xffff  }
0x77: {  	v19 =	vld [tilespmem:s30+$0x30];
	(xrf2) =	vadd.scan.msk.f32 $0xffff, v18  }
0x78: {  	v18 =	vmul.f32 v22, v21;
	v21 =	vld [tilespmem:s31+$0xFFFFFFF0]  }
0x79: {  	v22 =	vld [tilespmem:s1+$0xFFFFFFF0]  }
0x7a: {  	v23 =	vmul.f32 v24, v23;
	v24 =	vld [tilespmem:s31+$0x0];
	(xrf2) =	vadd.scan.msk.f32 $0xffff, v18  }
0x7b: {  	v18 =	vmov s0;
	v25 =	vld [tilespmem:s1+$0x0]  }
0x7c: {  	s25 =	sadd.s32 $0x10, s0;
	s26 =	sadd.s32 $0x20, s0;
	v18 =	vshrl.u32 v18, $0x7;
	v26 =	vld [tilespmem:s31+$0x10];
	vm1 =	vne.s32 v19, v17  }
0x7d: {  	v27 =	vmov s25;
	v28 =	vmov s26;
	s25 =	sadd.s32 $0x30, s0;
	s26 =	sadd.s32 $0x40, s0;
	v29 =	vld [tilespmem:s1+$0x10];
	vm2 =	vmor vm1, vm0;
	(xrf2) =	vadd.scan.msk.f32 $0xffff, v23  }
0x7e: {  	v30 =	vmov s26;
	v23 =	vmov s25;
	v21 =	vmul.f32 v22, v21;
	v22 =	vld [tilespmem:s31+$0x20]  }
0x7f: {  	v27 =	vshrl.u32 v27, $0x7;
	v33 =	vshrl.u32 v28, $0x7;
	v18 =	vshll.u32 v18, v6;
	v31 =	vld [tilespmem:s1+$0x20]  }
0x80: {  	v30 =	vshrl.u32 v30, $0x7;
	v23 =	vshrl.u32 v23, $0x7;
	v32 =	vld [tilespmem:s31+$0xFFFFFFC0];
	v24 =	vmul.f32 v25, v24;
	(xrf2) =	vadd.scan.msk.f32 $0xffff, v21  }
0x81: {  	v18 =	vbroadcast v18, $0x0;
	v21 =	vshll.u32 v27, v6;
	v25 =	vshll.u32 v33, v6;
	v27 =	vld [tilespmem:s30+$0xFFFFFFC0];
	v28, _, _ =	vpop (xrf2)  }
0x82: {  	v23 =	vshll.u32 v23, v6;
	v33 =	vld [tilespmem:s30+$0xFFFFFFD0];
	v26 =	vmul.f32 v29, v26;
	v29 =	vsub.f32 $0.0e+00, v28  }
0x83: {  	v21 =	vbroadcast v21, $0x0;
	v25 =	vbroadcast v25, $0x0;
	[tilespmem:v19+s23+$0x0] =	vst.idx.add.f32.msk vm2, v28;
	(xrf2) =	vadd.scan.msk.f32 $0xffff, v24  }
0x84: {  	v19 =	vbroadcast v23, $0x0;
	v23 =	vshll.u32 v30, v6;
	v22 =	vmul.f32 v31, v22;
	[tilespmem:v17+s23+$0x0] =	vst.idx.add.f32.msk vm1, v29;
	v17, _, _ =	vpop (xrf2)  }
0x85: {  	v18 =	vor.u32 v7, v18;
	v31 =	vmul.f32 v20, v32;
	v24 =	vsub.f32 $0.0e+00, v17;
	v28 =	vld [tilespmem:s30+$0xFFFFFFE0]  }
0x86: {  	v21 =	vor.u32 v0, v21;
	v23 =	vbroadcast v23, $0x0;
	vm1 =	vne.s32 v27, v10;
	v29 =	vld [tilespmem:s30+$0xFFFFFFF0]  }
0x87: {  	v25 =	vor.u32 v1, v25;
	vm2 =	vmor vm1, vm0;
	vm6 =	vne.s32 v33, v14;
	v30 =	vld [tilespmem:s30+$0x0];
	(xrf2) =	vadd.scan.msk.f32 $0xffff, v31;
	v20, _, _ =	vpop (xrf2)  }
0x88: {  	v19 =	vor.u32 v2, v19;
	vm4 =	vmor vm6, vm0;
	v31 =	vsub.f32 $0.0e+00, v20;
	v32 =	vld [tilespmem:s30+$0x10]  }
0x89: {  	v34 =	vld [tilespmem:s30+$0x20]  }
0x8a: {  	v35 =	vld.idx.msk [tilespmem:v18+s18+$0x0], $0xffff;
	v18 =	vor.u32 v3, v23;
	vm10 =	vne.s32 v28, v12;
	v23, _, _ =	vpop (xrf2);
	(xrf2) =	vadd.scan.msk.f32 $0xffff, v26  }
0x8b: {  	v21 =	vld.idx.msk [tilespmem:v21+s18+$0x0], $0xffff;
	vm11 =	vmor vm10, vm0;
	vm7 =	vne.s32 v29, v11;
	v26 =	vsub.f32 $0.0e+00, v23  }
0x8c: {  	v25 =	vld.idx.msk [tilespmem:v25+s18+$0x0], $0xffff;
	vm12 =	vmor vm7, vm0;
	vm5 =	vne.s32 v30, v13  }
0x8d: {  	v19 =	vld.idx.msk [tilespmem:v19+s18+$0x0], $0xffff;
	vm9 =	vmor vm5, vm0;
	vm3 =	vne.s32 v32, v16;
	v36, _, _ =	vpop (xrf2);
	(xrf2) =	vadd.scan.msk.f32 $0xffff, v22  }
0x8e: {  	[tilespmem:v33+s23+$0x0] =	vst.idx.add.f32.msk vm4, v17;
	v17 =	vsub.f32 $0.0e+00, v36;
	vm8 =	vmor vm3, vm0;
	vm4 =	vne.s32 v34, v15  }
0x8f: {  	[tilespmem:v14+s23+$0x0] =	vst.idx.add.f32.msk vm6, v24;
	vm6 =	vmor vm4, vm0  }
0x90: {  	v18 =	vld.idx.msk [tilespmem:v18+s18+$0x0], $0xffff;
	v14 =	vmov v21  }
0x91: {  	[tilespmem:v28+s23+$0x0] =	vst.idx.add.f32.msk vm11, v20;
	v20, _, _ =	vpop (xrf2)  }
0x92: {  	s25 =	sadd.s32 $0x50, s0;
	v21 =	vsub.f32 $0.0e+00, v20;
	[tilespmem:v12+s23+$0x0] =	vst.idx.add.f32.msk vm10, v31;
	v12 =	vmov v25  }
0x93: {  	v22 =	vmov s25;
	s25 =	sadd.s32 $0x60, s0;
	[tilespmem:v29+s23+$0x0] =	vst.idx.add.f32.msk vm12, v23  }
0x94: {  	v22 =	vshrl.u32 v22, $0x7;
	v23 =	vmov s25;
	[tilespmem:v11+s23+$0x0] =	vst.idx.add.f32.msk vm7, v26;
	v24, _, _ =	vpop (xrf2);
	v11 =	vmov v19  }
0x95: {  	v19 =	vshll.u32 v22, v6;
	v26 =	vshrl.u32 v23, $0x7;
	[tilespmem:v30+s23+$0x0] =	vst.idx.add.f32.msk vm9, v36;
	v23 =	vsub.f32 $0.0e+00, v24  }
0x96: {  	v19 =	vbroadcast v19, $0x0;
	v25 =	vshll.u32 v26, v6;
	[tilespmem:v13+s23+$0x0] =	vst.idx.add.f32.msk vm5, v17;
	v13 =	vmov v18  }
0x97: {  	v17 =	vbroadcast v25, $0x0;
	[tilespmem:v32+s23+$0x0] =	vst.idx.add.f32.msk vm8, v24;
	v22, _, _ =	vpop (xrf2)  }
.Ltmp1:
0x98: {  	v18 =	vor.u32 v4, v19;
	[tilespmem:v16+s23+$0x0] =	vst.idx.add.f32.msk vm3, v23;
	v16 =	vsub.f32 $0.0e+00, v22;
	(pc) =	sbr.rel @p0 .LBB2_4-.Ltmp1, $4  }
0x99: {  	v17 =	vor.u32 v8, v17;
	[tilespmem:v34+s23+$0x0] =	vst.idx.add.f32.msk vm6, v22  }
0x9a: {  	[tilespmem:v15+s23+$0x0] =	vst.idx.add.f32.msk vm4, v16  }
0x9b: {  	s25 =	sadd.s32 $0x70, s0;
	[tilespmem:v27+s23+$0x0] =	vst.idx.add.f32.msk vm2, v20  }
0x9c: {  	s0 =	sadd.s32 $0x80, s0;
	v19 =	vmov s25;
	[tilespmem:v10+s23+$0x0] =	vst.idx.add.f32.msk vm1, v21;
	v10 =	vmov v35  }
0x9d: {  	_ =	sdelay $0x3  }
0x9e: {  	v16 =	vld.idx.msk [tilespmem:v18+s18+$0x0], $0xffff;
	s0 =	sadd.s32 $0x80, s31  }
0x9f: {  	s1 =	sadd.s32 $0x80, s1;
	v18 =	vld [tilespmem:s0+$0x30]  }
0xa0: {  	v15 =	vshrl.u32 v19, $0x7;
	v19 =	vld [tilespmem:s1+$0x30]  }
0xa1: {  	v20 =	vld [tilespmem:s1+$0xFFFFFFC0]  }
0xa2: {  	v21 =	vld [tilespmem:s0+$0xFFFFFFD0]  }
0xa3: {  	v22 =	vld [tilespmem:s1+$0xFFFFFFD0]  }
0xa4: {  	v15 =	vshll.u32 v15, v6;
	v23 =	vld [tilespmem:s0+$0xFFFFFFE0]  }
0xa5: {  	s25 =	sadd.s32 $0x80, s30;
	v24 =	vld [tilespmem:s1+$0xFFFFFFE0];
	v15 =	vbroadcast v15, $0x0  }
0xa6: {  	v25 =	vld [tilespmem:s25+$0x30]  }
0xa7: {  	v26 =	vld [tilespmem:s0+$0xFFFFFFF0];
	v15 =	vor.u32 v9, v15  }
0xa8: {  	v27 =	vld [tilespmem:s1+$0xFFFFFFF0]  }
0xa9: {  	v28 =	vld [tilespmem:s0+$0x0]  }
0xaa: {  	v29 =	vld [tilespmem:s0+$0x10]  }
0xab: {  	v51 =	vld [tilespmem:s1+$0x10];
	v18 =	vmul.f32 v19, v18  }
0xac: {  	v15 =	vld.idx.msk [tilespmem:v15+s18+$0x0], $0xffff  }
0xad: {  	v52 =	vld [tilespmem:s0+$0xFFFFFFC0];
	(xrf2) =	vadd.scan.msk.f32 $0xffff, v18;
	v18 =	vmul.f32 v22, v21  }
0xae: {  	v19 =	vld [tilespmem:s1+$0x0]  }
0xaf: {  	v23 =	vmul.f32 v24, v23;
	(xrf2) =	vadd.scan.msk.f32 $0xffff, v18;
	v18 =	vld [tilespmem:s25+$0xFFFFFFD0]  }
0xb0: {  	v55 =	vld [tilespmem:s25+$0xFFFFFFE0]  }
0xb1: {  	v53 =	vld [tilespmem:s0+$0x20];
	v54 =	vmul.f32 v27, v26;
	(xrf2) =	vadd.scan.msk.f32 $0xffff, v23;
	vm1 =	vne.s32 v25, v15  }
0xb2: {  	v56 =	vld [tilespmem:s1+$0x20];
	vm2 =	vmor vm1, vm0  }
0xb3: {  	v57 =	vld [tilespmem:s25+$0xFFFFFFF0];
	v20 =	vmul.f32 v20, v52;
	v19 =	vmul.f32 v19, v28;
	(xrf2) =	vadd.scan.msk.f32 $0xffff, v54  }
0xb4: {  	v17 =	vld.idx.msk [tilespmem:v17+s18+$0x0], $0xffff;
	vm3 =	vne.s32 v18, v14  }
0xb5: {  	vm5 =	vne.s32 v55, v12;
	v21 =	vmul.f32 v51, v29;
	(xrf2) =	vadd.scan.msk.f32 $0xffff, v19;
	v19 =	vld [tilespmem:s25+$0x0];
	vm4 =	vmor vm3, vm0  }
0xb6: {  	v58 =	vld [tilespmem:s25+$0xFFFFFFC0];
	vm6 =	vmor vm5, vm0;
	(xrf2) =	vadd.scan.msk.f32 $0xffff, v20  }
0xb7: {  	v59 =	vld [tilespmem:s25+$0x10];
	v24 =	vmul.f32 v56, v53;
	v20, _, _ =	vpop (xrf2);
	(xrf2) =	vadd.scan.msk.f32 $0xffff, v21  }
0xb8: {  	v60 =	vsub.f32 $0.0e+00, v20;
	[tilespmem:v25+s23+$0x0] =	vst.idx.add.f32.msk vm2, v20;
	vm2 =	vne.s32 v57, v11  }
0xb9: {  	v61 =	vld [tilespmem:s25+$0x20];
	v20, _, _ =	vpop (xrf2);
	(xrf2) =	vadd.scan.msk.f32 $0xffff, v24;
	vm7 =	vmor vm2, vm0  }
0xba: {  	[tilespmem:v15+s23+$0x0] =	vst.idx.add.f32.msk vm1, v60;
	vm1 =	vne.s32 v19, v13  }
0xbb: {  	v15 =	vsub.f32 $0.0e+00, v20;
	v62, _, _ =	vpop (xrf2);
	[tilespmem:v18+s23+$0x0] =	vst.idx.add.f32.msk vm4, v20;
	vm8 =	vmor vm1, vm0  }
0xbc: {  	vm10 =	vne.s32 v59, v16;
	v18 =	vsub.f32 $0.0e+00, v62;
	[tilespmem:v55+s23+$0x0] =	vst.idx.add.f32.msk vm6, v62  }
0xbd: {  	[tilespmem:v14+s23+$0x0] =	vst.idx.add.f32.msk vm3, v15;
	v14, _, _ =	vpop (xrf2);
	vm3 =	vmor vm10, vm0  }
0xbe: {  	vm11 =	vne.s32 v61, v17;
	v15 =	vsub.f32 $0.0e+00, v14;
	[tilespmem:v12+s23+$0x0] =	vst.idx.add.f32.msk vm5, v18  }
0xbf: {  	vm12 =	vmor vm11, vm0;
	v12, _, _ =	vpop (xrf2);
	[tilespmem:v57+s23+$0x0] =	vst.idx.add.f32.msk vm7, v14  }
0xc0: {  	vm13 =	vne.s32 v58, v10;
	v18, _, _ =	vpop (xrf2);
	v14 =	vsub.f32 $0.0e+00, v12;
	[tilespmem:v11+s23+$0x0] =	vst.idx.add.f32.msk vm2, v15  }
0xc1: {  	vm2 =	vmor vm13, vm0;
	v11, _, _ =	vpop (xrf2);
	[tilespmem:v19+s23+$0x0] =	vst.idx.add.f32.msk vm8, v12  }
0xc2: {  	v12 =	vsub.f32 $0.0e+00, v11;
	[tilespmem:v13+s23+$0x0] =	vst.idx.add.f32.msk vm1, v14  }
0xc3: {  	[tilespmem:v59+s23+$0x0] =	vst.idx.add.f32.msk vm3, v11;
	v11, _, _ =	vpop (xrf2)  }
0xc4: {  	[tilespmem:v16+s23+$0x0] =	vst.idx.add.f32.msk vm10, v12;
	v12 =	vsub.f32 $0.0e+00, v11  }
0xc5: {  	[tilespmem:v61+s23+$0x0] =	vst.idx.add.f32.msk vm12, v11  }
0xc6: {  	v11 =	vsub.f32 $0.0e+00, v18;
	[tilespmem:v17+s23+$0x0] =	vst.idx.add.f32.msk vm11, v12  }
0xc7: {  	[tilespmem:v58+s23+$0x0] =	vst.idx.add.f32.msk vm2, v18  }
0xc8: {  	s26 =	simm.s32 $0x20;
	s0 =	simm.s32 $0x0;
	[tilespmem:v10+s23+$0x0] =	vst.idx.add.f32.msk vm13, v11  }
0xc9: {  	[tilespmem:s0], [sflag:$0x1] =	stream.linear.gather [hbm4b:s9+s0], $0x4000, $0x38;
	[tilespmem:$0x1A000] =	vst v63  }
0xca: {  	s1 =	simm.s32 $0x60;
	v12 =	vmov s26;
	s26 =	simm.s32 $0x40  }
0xcb: {  	v16 =	vmov s1;
	[tilespmem:s17], [sflag:$0x1] =	stream.linear.gather [hbm4b:s10+s0], $0x4000, $0x38;
	[tilespmem:$0x1A000] =	vst v63  }
0xcc: {  	s25 =	simm.s32 $0x10;
	v16 =	vshrl.u32 v16, $0x7;
	v14 =	vmov s26  }
0xcd: {  	v12 =	vshrl.u32 v12, $0x7;
	v10 =	vmov s0;
	v11 =	vmov s25;
	[tilespmem:s18], [sflag:$0x1] =	stream.linear.gather [hbm4b:s11+s0], $0x4000, $0x38;
	[tilespmem:$0x1A000] =	vst v63  }
0xce: {  	s26 =	simm.s32 $0x50;
	v14 =	vshrl.u32 v14, $0x7;
	v12 =	vshll.u32 v12, v6;
	v10 =	vshrl.u32 v10, $0x7;
	_ =	swait.ge [sflag:s24], $0x4000  }
0xcf: {  	s25 =	simm.s32 $0x30;
	v15 =	vmov s26;
	v11 =	vshrl.u32 v11, $0x7;
	v10 =	vshll.u32 v10, v6;
	[sflag:s24] =	ssyncset.done $0x0  }
0xd0: {  	v13 =	vmov s25;
	v11 =	vshll.u32 v11, v6;
	v10 =	vbroadcast v10, $0x0;
	[sflag:s24] =	ssyncadd.s32 $0xFFFFC000  }
0xd1: {  	v12 =	vbroadcast v12, $0x0;
	v13 =	vshrl.u32 v13, $0x7;
	v11 =	vbroadcast v11, $0x0;
	_ =	swait.ge [sflag:s24], $0x4000  }
0xd2: {  	v14 =	vshll.u32 v14, v6;
	v13 =	vshll.u32 v13, v6;
	v10 =	vor.u32 v7, v10;
	[sflag:s24] =	ssyncset.done $0x0  }
0xd3: {  	v15 =	vshrl.u32 v15, $0x7;
	v13 =	vbroadcast v13, $0x0;
	v11 =	vor.u32 v0, v11;
	[sflag:s24] =	ssyncadd.s32 $0xFFFFC000  }
0xd4: {  	v14 =	vbroadcast v14, $0x0;
	v15 =	vshll.u32 v15, v6;
	v12 =	vor.u32 v1, v12;
	_ =	swait.ge [sflag:s24], $0x4000  }
0xd5: {  	v17 =	vbroadcast v15, $0x0;
	v15 =	vshll.u32 v16, v6;
	v13 =	vor.u32 v2, v13;
	[sflag:s24] =	ssyncset.done $0x0  }
0xd6: {  	v14 =	vor.u32 v3, v14;
	v16 =	vbroadcast v15, $0x0;
	[sflag:s24] =	ssyncadd.s32 $0xFFFFC000  }
0xd7: {  	v15 =	vld.idx.msk [tilespmem:v10+s21+$0x0], $0xffff;
	v10 =	vor.u32 v4, v17  }
0xd8: {  	v18 =	vld.idx.msk [tilespmem:v11+s21+$0x0], $0xffff;
	v11 =	vor.u32 v8, v16  }
0xd9: {  	v19 =	vld.idx.msk [tilespmem:v12+s21+$0x0], $0xffff  }
0xda: {  	v20 =	vld.idx.msk [tilespmem:v13+s21+$0x0], $0xffff  }
0xdb: {  	s25 =	simm.s32 $0x70;
	v63 =	vld.idx.msk [tilespmem:v14+s21+$0x0], $0xffff  }
0xdc: {  	v12 =	vmov s25;
	v17 =	vld.idx.msk [tilespmem:v10+s21+$0x0], $0xffff  }
0xdd: {  	s1 =	simm.s32 $0xC040;
	v12 =	vshrl.u32 v12, $0x7;
	v16 =	vld.idx.msk [tilespmem:v11+s21+$0x0], $0xffff  }
0xde: {  	s31 =	simm.s32 $0x10040;
	v10 =	vshll.u32 v12, v6;
	v11 =	vld [tilespmem:s1+$0x30]  }
0xdf: {  	v12 =	vld [tilespmem:s31+$0x30];
	v10 =	vbroadcast v10, $0x0  }
0xe0: {  	v13 =	vld [tilespmem:s31+$0xFFFFFFC0]  }
0xe1: {  	v14 =	vld [tilespmem:s1+$0xFFFFFFD0];
	v10 =	vor.u32 v9, v10  }
0xe2: {  	v36 =	vld [tilespmem:s31+$0xFFFFFFD0]  }
0xe3: {  	v37 =	vld [tilespmem:s1+$0xFFFFFFE0]  }
0xe4: {  	s30 =	simm.s32 $0x14040;
	v38 =	vld [tilespmem:s31+$0xFFFFFFE0];
	v11 =	vmul.f32 v12, v11  }
0xe5: {  	v12 =	vld [tilespmem:s30+$0x30]  }
0xe6: {  	(xrf2) =	vadd.scan.msk.f32 $0xffff, v11;
	v10 =	vld.idx.msk [tilespmem:v10+s21+$0x0], $0xffff  }
0xe7: {  	v39 =	vld [tilespmem:s31+$0xFFFFFFF0]  }
0xe8: {  	v40 =	vld [tilespmem:s1+$0x0]  }
0xe9: {  	v41 =	vld [tilespmem:s31+$0x0]  }
0xea: {  	v42 =	vld [tilespmem:s1+$0x10]  }
0xeb: {  	v43 =	vld [tilespmem:s31+$0x10];
	vm1 =	vne.s32 v12, v10  }
0xec: {  	v14 =	vmul.f32 v36, v14;
	v11 =	vld [tilespmem:s1+$0xFFFFFFF0];
	vm2 =	vmor vm1, vm0  }
0xed: {  	s25 =	simm.s32 $0x90;
	v34 =	vld [tilespmem:s1+$0xFFFFFFC0]  }
0xee: {  	v35 =	vld [tilespmem:s30+$0xFFFFFFD0];
	v30 =	vmov s25;
	v23 =	vmul.f32 v38, v37;
	(xrf2) =	vadd.scan.msk.f32 $0xffff, v14  }
0xef: {  	s26 =	simm.s32 $0x80;
	v44 =	vld [tilespmem:s1+$0x20];
	v30 =	vshrl.u32 v30, $0x7  }
0xf0: {  	v45 =	vmov s26;
	v50 =	vld [tilespmem:s30+$0xFFFFFFE0];
	v47 =	vshll.u32 v30, v6;
	(xrf2) =	vadd.scan.msk.f32 $0xffff, v23;
	v46, _, _ =	vpop (xrf2)  }
0xf1: {  	s26 =	simm.s32 $0xA0;
	v51 =	vld [tilespmem:s30+$0xFFFFFFF0];
	v25 =	vbroadcast v47, $0x0;
	v11 =	vmul.f32 v39, v11;
	v36 =	vsub.f32 $0.0e+00, v46  }
0xf2: {  	v32 =	vmov s26;
	s26 =	simm.s32 $0xC0;
	v26 =	vmul.f32 v41, v40;
	v13 =	vmul.f32 v13, v34;
	[tilespmem:v12+s23+$0x0] =	vst.idx.add.f32.msk vm2, v46  }
0xf3: {  	v14 =	vmov s26;
	(xrf2) =	vadd.scan.msk.f32 $0xffff, v11;
	[tilespmem:v10+s23+$0x0] =	vst.idx.add.f32.msk vm1, v36;
	vm1 =	vne.s32 v35, v18  }
0xf4: {  	v31 =	vld [tilespmem:s31+$0x20];
	v25 =	vor.u32 v0, v25;
	v14 =	vshrl.u32 v14, $0x7;
	vm2 =	vmor vm1, vm0  }
0xf5: {  	v52 =	vld [tilespmem:s30+$0x0];
	vm3 =	vne.s32 v50, v19;
	v11 =	vshll.u32 v14, v6;
	v14 =	vmul.f32 v43, v42;
	(xrf2) =	vadd.scan.msk.f32 $0xffff, v26  }
0xf6: {  	v48 =	vld [tilespmem:s30+$0xFFFFFFC0];
	vm14 =	vmor vm3, vm0;
	v11 =	vbroadcast v11, $0x0;
	(xrf2) =	vadd.scan.msk.f32 $0xffff, v13  }
0xf7: {  	v54 =	vld [tilespmem:s30+$0x10];
	vm5 =	vne.s32 v51, v20;
	(xrf2) =	vadd.scan.msk.f32 $0xffff, v14  }
0xf8: {  	v55 =	vld [tilespmem:s30+$0x20];
	vm15 =	vmor vm5, vm0;
	v56 =	vor.u32 v3, v11;
	v57, _, _ =	vpop (xrf2)  }
0xf9: {  	v13 =	vmul.f32 v31, v44;
	v14 =	vld.idx.msk [tilespmem:v25+s21+$0x0], $0xffff;
	v58 =	vsub.f32 $0.0e+00, v57  }
0xfa: {  	v24 =	vshrl.u32 v45, $0x7;
	vm7 =	vne.s32 v52, v63;
	v59, _, _ =	vpop (xrf2);
	[tilespmem:v35+s23+$0x0] =	vst.idx.add.f32.msk vm2, v57  }
0xfb: {  	(xrf2) =	vadd.scan.msk.f32 $0xffff, v13;
	vm2 =	vmor vm7, vm0;
	[tilespmem:v18+s23+$0x0] =	vst.idx.add.f32.msk vm1, v58;
	v18 =	vsub.f32 $0.0e+00, v59  }
0xfc: {  	v24 =	vshll.u32 v24, v6;
	v32 =	vshrl.u32 v32, $0x7;
	s25 =	simm.s32 $0xB0;
	[tilespmem:v50+s23+$0x0] =	vst.idx.add.f32.msk vm14, v59;
	vm1 =	vne.s32 v54, v17  }
0xfd: {  	v24 =	vbroadcast v24, $0x0;
	v33 =	vmov s25;
	v13 =	vld.idx.msk [tilespmem:v56+s21+$0x0], $0xffff;
	v60, _, _ =	vpop (xrf2);
	vm12 =	vmor vm1, vm0  }
0xfe: {  	v32 =	vshll.u32 v32, v6;
	v12 =	vshrl.u32 v33, $0x7;
	v61 =	vsub.f32 $0.0e+00, v60;
	[tilespmem:v51+s23+$0x0] =	vst.idx.add.f32.msk vm15, v60  }
0xff: {  	v10 =	vshll.u32 v12, v6;
	v12 =	vbroadcast v32, $0x0;
	[tilespmem:v19+s23+$0x0] =	vst.idx.add.f32.msk vm3, v18;
	v18, _, _ =	vpop (xrf2)  }
0x100: {  	v49 =	vor.u32 v7, v24;
	vm13 =	vne.s32 v55, v16;
	[tilespmem:v20+s23+$0x0] =	vst.idx.add.f32.msk vm5, v61;
	v19 =	vsub.f32 $0.0e+00, v18;
	v62, _, _ =	vpop (xrf2)  }
0x101: {  	s25 =	simm.s32 $0xD0;
	v10 =	vbroadcast v10, $0x0;
	v12 =	vor.u32 v1, v12;
	vm3 =	vmor vm13, vm0;
	[tilespmem:v52+s23+$0x0] =	vst.idx.add.f32.msk vm2, v18;
	v20, _, _ =	vpop (xrf2)  }
0x102: {  	s26 =	simm.s32 $0xE0;
	vm14 =	vne.s32 v48, v15;
	v18 =	vsub.f32 $0.0e+00, v20;
	[tilespmem:v63+s23+$0x0] =	vst.idx.add.f32.msk vm7, v19;
	v19 =	vmov s25  }
0x103: {  	v53 =	vor.u32 v2, v10;
	v63 =	vmov s26;
	[tilespmem:v54+s23+$0x0] =	vst.idx.add.f32.msk vm12, v20;
	v19 =	vshrl.u32 v19, $0x7  }
0x104: {  	vm15 =	vmor vm14, vm0;
	v21 =	vshrl.u32 v63, $0x7;
	[tilespmem:v17+s23+$0x0] =	vst.idx.add.f32.msk vm1, v18;
	v18 =	vshll.u32 v19, v6  }
0x105: {  	v10 =	vld.idx.msk [tilespmem:v49+s21+$0x0], $0xffff;
	v20, _, _ =	vpop (xrf2);
	v19 =	vshll.u32 v21, v6;
	v18 =	vbroadcast v18, $0x0  }
0x106: {  	v12 =	vld.idx.msk [tilespmem:v12+s21+$0x0], $0xffff;
	v17 =	vsub.f32 $0.0e+00, v20;
	v19 =	vbroadcast v19, $0x0  }
0x107: {  	[tilespmem:v55+s23+$0x0] =	vst.idx.add.f32.msk vm3, v20;
	v18 =	vor.u32 v4, v18  }
0x108: {  	[tilespmem:v16+s23+$0x0] =	vst.idx.add.f32.msk vm13, v17;
	v17 =	vor.u32 v8, v19  }
0x109: {  	v11 =	vld.idx.msk [tilespmem:v53+s21+$0x0], $0xffff;
	v20 =	vsub.f32 $0.0e+00, v62  }
0x10a: {  	[tilespmem:v48+s23+$0x0] =	vst.idx.add.f32.msk vm15, v62;
	s26 =	simm.s32 $0xF0  }
0x10b: {  	s0 =	simm.s32 $0x100;
	[tilespmem:v15+s23+$0x0] =	vst.idx.add.f32.msk vm14, v20;
	v19 =	vmov s26  }
.LBB2_6:
0x10c: {  	p0 =	slt.u32 s0, $0x3F80;
	v16 =	vld.idx.msk [tilespmem:v18+s21+$0x0], $0xffff;
	v18 =	vshrl.u32 v19, $0x7  }
0x10d: {  	s1 =	sadd.s32 $0x80, s1;
	v15 =	vld.idx.msk [tilespmem:v17+s21+$0x0], $0xffff;
	v17 =	vshll.u32 v18, v6  }
0x10e: {  	s31 =	sadd.s32 $0x80, s31;
	v18 =	vld [tilespmem:s1+$0x30];
	v17 =	vbroadcast v17, $0x0  }
0x10f: {  	v19 =	vld [tilespmem:s31+$0x30]  }
0x110: {  	v20 =	vld [tilespmem:s31+$0xFFFFFFC0];
	v17 =	vor.u32 v9, v17  }
0x111: {  	v21 =	vld [tilespmem:s1+$0xFFFFFFD0]  }
0x112: {  	v22 =	vld [tilespmem:s31+$0xFFFFFFD0]  }
0x113: {  	v23 =	vld [tilespmem:s1+$0xFFFFFFE0]  }
0x114: {  	v24 =	vld [tilespmem:s31+$0xFFFFFFE0];
	v18 =	vmul.f32 v19, v18  }
0x115: {  	s30 =	sadd.s32 $0x80, s30;
	v17 =	vld.idx.msk [tilespmem:v17+s21+$0x0], $0xffff  }
0x116: {  	v19 =	vld [tilespmem:s30+$0x30];
	(xrf2) =	vadd.scan.msk.f32 $0xffff, v18  }
0x117: {  	v18 =	vmul.f32 v22, v21;
	v21 =	vld [tilespmem:s1+$0xFFFFFFF0]  }
0x118: {  	v22 =	vld [tilespmem:s31+$0xFFFFFFF0]  }
0x119: {  	v23 =	vmul.f32 v24, v23;
	v24 =	vld [tilespmem:s1+$0x0];
	(xrf2) =	vadd.scan.msk.f32 $0xffff, v18  }
0x11a: {  	v18 =	vmov s0;
	v25 =	vld [tilespmem:s31+$0x0]  }
0x11b: {  	s25 =	sadd.s32 $0x10, s0;
	s26 =	sadd.s32 $0x20, s0;
	v18 =	vshrl.u32 v18, $0x7;
	v26 =	vld [tilespmem:s1+$0x10];
	vm1 =	vne.s32 v19, v17  }
0x11c: {  	v27 =	vmov s25;
	v28 =	vmov s26;
	s25 =	sadd.s32 $0x30, s0;
	s26 =	sadd.s32 $0x40, s0;
	v29 =	vld [tilespmem:s31+$0x10];
	vm2 =	vmor vm1, vm0;
	(xrf2) =	vadd.scan.msk.f32 $0xffff, v23  }
0x11d: {  	v30 =	vmov s26;
	v23 =	vmov s25;
	v21 =	vmul.f32 v22, v21;
	v22 =	vld [tilespmem:s1+$0x20]  }
0x11e: {  	v27 =	vshrl.u32 v27, $0x7;
	v33 =	vshrl.u32 v28, $0x7;
	v18 =	vshll.u32 v18, v6;
	v31 =	vld [tilespmem:s31+$0x20]  }
0x11f: {  	v30 =	vshrl.u32 v30, $0x7;
	v23 =	vshrl.u32 v23, $0x7;
	v32 =	vld [tilespmem:s1+$0xFFFFFFC0];
	v24 =	vmul.f32 v25, v24;
	(xrf2) =	vadd.scan.msk.f32 $0xffff, v21  }
0x120: {  	v18 =	vbroadcast v18, $0x0;
	v21 =	vshll.u32 v27, v6;
	v25 =	vshll.u32 v33, v6;
	v27 =	vld [tilespmem:s30+$0xFFFFFFC0];
	v28, _, _ =	vpop (xrf2)  }
0x121: {  	v23 =	vshll.u32 v23, v6;
	v33 =	vld [tilespmem:s30+$0xFFFFFFD0];
	v26 =	vmul.f32 v29, v26;
	v29 =	vsub.f32 $0.0e+00, v28  }
0x122: {  	v21 =	vbroadcast v21, $0x0;
	v25 =	vbroadcast v25, $0x0;
	[tilespmem:v19+s23+$0x0] =	vst.idx.add.f32.msk vm2, v28;
	(xrf2) =	vadd.scan.msk.f32 $0xffff, v24  }
0x123: {  	v19 =	vbroadcast v23, $0x0;
	v23 =	vshll.u32 v30, v6;
	v22 =	vmul.f32 v31, v22;
	[tilespmem:v17+s23+$0x0] =	vst.idx.add.f32.msk vm1, v29;
	v17, _, _ =	vpop (xrf2)  }
0x124: {  	v18 =	vor.u32 v7, v18;
	v31 =	vmul.f32 v20, v32;
	v24 =	vsub.f32 $0.0e+00, v17;
	v28 =	vld [tilespmem:s30+$0xFFFFFFE0]  }
0x125: {  	v21 =	vor.u32 v0, v21;
	v23 =	vbroadcast v23, $0x0;
	vm1 =	vne.s32 v27, v10;
	v29 =	vld [tilespmem:s30+$0xFFFFFFF0]  }
0x126: {  	v25 =	vor.u32 v1, v25;
	vm2 =	vmor vm1, vm0;
	vm6 =	vne.s32 v33, v14;
	v30 =	vld [tilespmem:s30+$0x0];
	(xrf2) =	vadd.scan.msk.f32 $0xffff, v31;
	v20, _, _ =	vpop (xrf2)  }
0x127: {  	v19 =	vor.u32 v2, v19;
	vm4 =	vmor vm6, vm0;
	v31 =	vsub.f32 $0.0e+00, v20;
	v32 =	vld [tilespmem:s30+$0x10]  }
0x128: {  	v34 =	vld [tilespmem:s30+$0x20]  }
0x129: {  	v35 =	vld.idx.msk [tilespmem:v18+s21+$0x0], $0xffff;
	v18 =	vor.u32 v3, v23;
	vm10 =	vne.s32 v28, v12;
	v23, _, _ =	vpop (xrf2);
	(xrf2) =	vadd.scan.msk.f32 $0xffff, v26  }
0x12a: {  	v21 =	vld.idx.msk [tilespmem:v21+s21+$0x0], $0xffff;
	vm11 =	vmor vm10, vm0;
	vm7 =	vne.s32 v29, v11;
	v26 =	vsub.f32 $0.0e+00, v23  }
0x12b: {  	v25 =	vld.idx.msk [tilespmem:v25+s21+$0x0], $0xffff;
	vm12 =	vmor vm7, vm0;
	vm5 =	vne.s32 v30, v13  }
0x12c: {  	v19 =	vld.idx.msk [tilespmem:v19+s21+$0x0], $0xffff;
	vm9 =	vmor vm5, vm0;
	vm3 =	vne.s32 v32, v16;
	v36, _, _ =	vpop (xrf2);
	(xrf2) =	vadd.scan.msk.f32 $0xffff, v22  }
0x12d: {  	[tilespmem:v33+s23+$0x0] =	vst.idx.add.f32.msk vm4, v17;
	v17 =	vsub.f32 $0.0e+00, v36;
	vm8 =	vmor vm3, vm0;
	vm4 =	vne.s32 v34, v15  }
0x12e: {  	[tilespmem:v14+s23+$0x0] =	vst.idx.add.f32.msk vm6, v24;
	vm6 =	vmor vm4, vm0  }
0x12f: {  	v18 =	vld.idx.msk [tilespmem:v18+s21+$0x0], $0xffff;
	v14 =	vmov v21  }
0x130: {  	[tilespmem:v28+s23+$0x0] =	vst.idx.add.f32.msk vm11, v20;
	v20, _, _ =	vpop (xrf2)  }
0x131: {  	s25 =	sadd.s32 $0x50, s0;
	v21 =	vsub.f32 $0.0e+00, v20;
	[tilespmem:v12+s23+$0x0] =	vst.idx.add.f32.msk vm10, v31;
	v12 =	vmov v25  }
0x132: {  	v22 =	vmov s25;
	s25 =	sadd.s32 $0x60, s0;
	[tilespmem:v29+s23+$0x0] =	vst.idx.add.f32.msk vm12, v23  }
0x133: {  	v22 =	vshrl.u32 v22, $0x7;
	v23 =	vmov s25;
	[tilespmem:v11+s23+$0x0] =	vst.idx.add.f32.msk vm7, v26;
	v24, _, _ =	vpop (xrf2);
	v11 =	vmov v19  }
0x134: {  	v19 =	vshll.u32 v22, v6;
	v26 =	vshrl.u32 v23, $0x7;
	[tilespmem:v30+s23+$0x0] =	vst.idx.add.f32.msk vm9, v36;
	v23 =	vsub.f32 $0.0e+00, v24  }
0x135: {  	v19 =	vbroadcast v19, $0x0;
	v25 =	vshll.u32 v26, v6;
	[tilespmem:v13+s23+$0x0] =	vst.idx.add.f32.msk vm5, v17;
	v13 =	vmov v18  }
0x136: {  	v17 =	vbroadcast v25, $0x0;
	[tilespmem:v32+s23+$0x0] =	vst.idx.add.f32.msk vm8, v24;
	v22, _, _ =	vpop (xrf2)  }
.Ltmp2:
0x137: {  	v18 =	vor.u32 v4, v19;
	[tilespmem:v16+s23+$0x0] =	vst.idx.add.f32.msk vm3, v23;
	v16 =	vsub.f32 $0.0e+00, v22;
	(pc) =	sbr.rel @p0 .LBB2_6-.Ltmp2, $4  }
0x138: {  	v17 =	vor.u32 v8, v17;
	[tilespmem:v34+s23+$0x0] =	vst.idx.add.f32.msk vm6, v22  }
0x139: {  	[tilespmem:v15+s23+$0x0] =	vst.idx.add.f32.msk vm4, v16  }
0x13a: {  	s25 =	sadd.s32 $0x70, s0;
	[tilespmem:v27+s23+$0x0] =	vst.idx.add.f32.msk vm2, v20  }
0x13b: {  	s0 =	sadd.s32 $0x80, s0;
	v19 =	vmov s25;
	[tilespmem:v10+s23+$0x0] =	vst.idx.add.f32.msk vm1, v21;
	v10 =	vmov v35  }
0x13c: {  	_ =	sdelay $0x3  }
0x13d: {  	v16 =	vld.idx.msk [tilespmem:v18+s21+$0x0], $0xffff;
	s0 =	sadd.s32 $0x80, s1  }
0x13e: {  	s26 =	sadd.s32 $0x80, s31;
	v18 =	vld [tilespmem:s0+$0x30]  }
0x13f: {  	v15 =	vshrl.u32 v19, $0x7;
	v19 =	vld [tilespmem:s26+$0x30]  }
0x140: {  	v20 =	vld [tilespmem:s26+$0xFFFFFFC0]  }
0x141: {  	v21 =	vld [tilespmem:s0+$0xFFFFFFD0]  }
0x142: {  	v22 =	vld [tilespmem:s26+$0xFFFFFFD0]  }
0x143: {  	v15 =	vshll.u32 v15, v6;
	v23 =	vld [tilespmem:s0+$0xFFFFFFE0]  }
0x144: {  	s25 =	sadd.s32 $0x80, s30;
	v24 =	vld [tilespmem:s26+$0xFFFFFFE0];
	v15 =	vbroadcast v15, $0x0  }
0x145: {  	v25 =	vld [tilespmem:s25+$0x30]  }
0x146: {  	v26 =	vld [tilespmem:s0+$0xFFFFFFF0];
	v15 =	vor.u32 v9, v15  }
0x147: {  	v27 =	vld [tilespmem:s26+$0xFFFFFFF0]  }
0x148: {  	v28 =	vld [tilespmem:s0+$0x0]  }
0x149: {  	v29 =	vld [tilespmem:s0+$0x10]  }
0x14a: {  	v51 =	vld [tilespmem:s26+$0x10];
	v18 =	vmul.f32 v19, v18  }
0x14b: {  	v15 =	vld.idx.msk [tilespmem:v15+s21+$0x0], $0xffff  }
0x14c: {  	v52 =	vld [tilespmem:s0+$0xFFFFFFC0];
	(xrf2) =	vadd.scan.msk.f32 $0xffff, v18;
	v18 =	vmul.f32 v22, v21  }
0x14d: {  	v19 =	vld [tilespmem:s26+$0x0]  }
0x14e: {  	v23 =	vmul.f32 v24, v23;
	(xrf2) =	vadd.scan.msk.f32 $0xffff, v18;
	v18 =	vld [tilespmem:s25+$0xFFFFFFD0]  }
0x14f: {  	v55 =	vld [tilespmem:s25+$0xFFFFFFE0]  }
0x150: {  	v53 =	vld [tilespmem:s0+$0x20];
	v54 =	vmul.f32 v27, v26;
	(xrf2) =	vadd.scan.msk.f32 $0xffff, v23;
	vm1 =	vne.s32 v25, v15  }
0x151: {  	v56 =	vld [tilespmem:s26+$0x20];
	vm2 =	vmor vm1, vm0  }
0x152: {  	v57 =	vld [tilespmem:s25+$0xFFFFFFF0];
	v20 =	vmul.f32 v20, v52;
	v19 =	vmul.f32 v19, v28;
	(xrf2) =	vadd.scan.msk.f32 $0xffff, v54  }
0x153: {  	v17 =	vld.idx.msk [tilespmem:v17+s21+$0x0], $0xffff;
	vm3 =	vne.s32 v18, v14  }
0x154: {  	vm5 =	vne.s32 v55, v12;
	v21 =	vmul.f32 v51, v29;
	(xrf2) =	vadd.scan.msk.f32 $0xffff, v19;
	v19 =	vld [tilespmem:s25+$0x0];
	vm4 =	vmor vm3, vm0  }
0x155: {  	v58 =	vld [tilespmem:s25+$0xFFFFFFC0];
	vm6 =	vmor vm5, vm0;
	(xrf2) =	vadd.scan.msk.f32 $0xffff, v20  }
0x156: {  	v59 =	vld [tilespmem:s25+$0x10];
	v24 =	vmul.f32 v56, v53;
	v20, _, _ =	vpop (xrf2);
	(xrf2) =	vadd.scan.msk.f32 $0xffff, v21  }
0x157: {  	v60 =	vsub.f32 $0.0e+00, v20;
	[tilespmem:v25+s23+$0x0] =	vst.idx.add.f32.msk vm2, v20;
	vm2 =	vne.s32 v57, v11  }
0x158: {  	v61 =	vld [tilespmem:s25+$0x20];
	v20, _, _ =	vpop (xrf2);
	(xrf2) =	vadd.scan.msk.f32 $0xffff, v24;
	vm7 =	vmor vm2, vm0  }
0x159: {  	[tilespmem:v15+s23+$0x0] =	vst.idx.add.f32.msk vm1, v60;
	vm1 =	vne.s32 v19, v13  }
0x15a: {  	v15 =	vsub.f32 $0.0e+00, v20;
	v62, _, _ =	vpop (xrf2);
	[tilespmem:v18+s23+$0x0] =	vst.idx.add.f32.msk vm4, v20;
	vm8 =	vmor vm1, vm0  }
0x15b: {  	vm10 =	vne.s32 v59, v16;
	v18 =	vsub.f32 $0.0e+00, v62;
	[tilespmem:v55+s23+$0x0] =	vst.idx.add.f32.msk vm6, v62  }
0x15c: {  	[tilespmem:v14+s23+$0x0] =	vst.idx.add.f32.msk vm3, v15;
	v14, _, _ =	vpop (xrf2);
	vm3 =	vmor vm10, vm0  }
0x15d: {  	vm11 =	vne.s32 v61, v17;
	v15 =	vsub.f32 $0.0e+00, v14;
	[tilespmem:v12+s23+$0x0] =	vst.idx.add.f32.msk vm5, v18  }
0x15e: {  	vm12 =	vmor vm11, vm0;
	v12, _, _ =	vpop (xrf2);
	[tilespmem:v57+s23+$0x0] =	vst.idx.add.f32.msk vm7, v14  }
0x15f: {  	vm13 =	vne.s32 v58, v10;
	v18, _, _ =	vpop (xrf2);
	v14 =	vsub.f32 $0.0e+00, v12;
	[tilespmem:v11+s23+$0x0] =	vst.idx.add.f32.msk vm2, v15  }
0x160: {  	vm2 =	vmor vm13, vm0;
	v11, _, _ =	vpop (xrf2);
	[tilespmem:v19+s23+$0x0] =	vst.idx.add.f32.msk vm8, v12  }
0x161: {  	v12 =	vsub.f32 $0.0e+00, v11;
	[tilespmem:v13+s23+$0x0] =	vst.idx.add.f32.msk vm1, v14  }
0x162: {  	[tilespmem:v59+s23+$0x0] =	vst.idx.add.f32.msk vm3, v11;
	v11, _, _ =	vpop (xrf2)  }
0x163: {  	[tilespmem:v16+s23+$0x0] =	vst.idx.add.f32.msk vm10, v12;
	v12 =	vsub.f32 $0.0e+00, v11  }
0x164: {  	[tilespmem:v61+s23+$0x0] =	vst.idx.add.f32.msk vm12, v11  }
0x165: {  	v11 =	vsub.f32 $0.0e+00, v18;
	[tilespmem:v17+s23+$0x0] =	vst.idx.add.f32.msk vm11, v12  }
0x166: {  	[tilespmem:v58+s23+$0x0] =	vst.idx.add.f32.msk vm2, v18  }
0x167: {  	s0 =	simm.s32 $0x0;
	s26 =	simm.s32 $0x20;
	[tilespmem:v10+s23+$0x0] =	vst.idx.add.f32.msk vm13, v11  }
0x168: {  	[tilespmem:s19], [sflag:$0x2] =	stream.linear.gather [hbm4b:s12+s0], $0x4000, $0x38;
	[tilespmem:$0x1A000] =	vst v63  }
0x169: {  	s1 =	simm.s32 $0x60;
	v12 =	vmov s26;
	s26 =	simm.s32 $0x40  }
0x16a: {  	v16 =	vmov s1;
	[tilespmem:s20], [sflag:$0x2] =	stream.linear.gather [hbm4b:s13+s0], $0x4000, $0x38;
	[tilespmem:$0x1A000] =	vst v63  }
0x16b: {  	s25 =	simm.s32 $0x10;
	v16 =	vshrl.u32 v16, $0x7;
	v14 =	vmov s26  }
0x16c: {  	v12 =	vshrl.u32 v12, $0x7;
	v10 =	vmov s0;
	v11 =	vmov s25;
	[tilespmem:s21], [sflag:$0x2] =	stream.linear.gather [hbm4b:s14+s0], $0x4000, $0x38;
	[tilespmem:$0x1A000] =	vst v63  }
0x16d: {  	s26 =	simm.s32 $0x50;
	v14 =	vshrl.u32 v14, $0x7;
	v12 =	vshll.u32 v12, v6;
	v10 =	vshrl.u32 v10, $0x7;
	_ =	swait.ge [sflag:s22], $0x4000  }
0x16e: {  	s25 =	simm.s32 $0x30;
	v15 =	vmov s26;
	v11 =	vshrl.u32 v11, $0x7;
	v10 =	vshll.u32 v10, v6;
	[sflag:s22] =	ssyncset.done $0x0  }
0x16f: {  	v13 =	vmov s25;
	v11 =	vshll.u32 v11, v6;
	v10 =	vbroadcast v10, $0x0;
	[sflag:s22] =	ssyncadd.s32 $0xFFFFC000  }
0x170: {  	v12 =	vbroadcast v12, $0x0;
	v13 =	vshrl.u32 v13, $0x7;
	v11 =	vbroadcast v11, $0x0;
	_ =	swait.ge [sflag:s22], $0x4000  }
0x171: {  	v14 =	vshll.u32 v14, v6;
	v13 =	vshll.u32 v13, v6;
	v10 =	vor.u32 v7, v10;
	[sflag:s22] =	ssyncset.done $0x0  }
0x172: {  	v15 =	vshrl.u32 v15, $0x7;
	v13 =	vbroadcast v13, $0x0;
	v11 =	vor.u32 v0, v11;
	[sflag:s22] =	ssyncadd.s32 $0xFFFFC000  }
0x173: {  	v14 =	vbroadcast v14, $0x0;
	v15 =	vshll.u32 v15, v6;
	v12 =	vor.u32 v1, v12;
	_ =	swait.ge [sflag:s22], $0x4000  }
0x174: {  	v17 =	vbroadcast v15, $0x0;
	v15 =	vshll.u32 v16, v6;
	v13 =	vor.u32 v2, v13;
	[sflag:s22] =	ssyncset.done $0x0  }
0x175: {  	v14 =	vor.u32 v3, v14;
	v16 =	vbroadcast v15, $0x0;
	[sflag:s22] =	ssyncadd.s32 $0xFFFFC000  }
0x176: {  	v15 =	vld.idx.msk [tilespmem:v10+s18+$0x0], $0xffff;
	v10 =	vor.u32 v4, v17  }
0x177: {  	v18 =	vld.idx.msk [tilespmem:v11+s18+$0x0], $0xffff;
	v11 =	vor.u32 v8, v16  }
0x178: {  	v19 =	vld.idx.msk [tilespmem:v12+s18+$0x0], $0xffff  }
0x179: {  	v20 =	vld.idx.msk [tilespmem:v13+s18+$0x0], $0xffff  }
0x17a: {  	s25 =	simm.s32 $0x70;
	v63 =	vld.idx.msk [tilespmem:v14+s18+$0x0], $0xffff  }
0x17b: {  	v12 =	vmov s25;
	v17 =	vld.idx.msk [tilespmem:v10+s18+$0x0], $0xffff  }
0x17c: {  	s1 =	simm.s32 $0x40;
	v12 =	vshrl.u32 v12, $0x7;
	v16 =	vld.idx.msk [tilespmem:v11+s18+$0x0], $0xffff  }
0x17d: {  	s31 =	simm.s32 $0x4040;
	v10 =	vshll.u32 v12, v6;
	v11 =	vld [tilespmem:s1+$0x30]  }
0x17e: {  	v12 =	vld [tilespmem:s31+$0x30];
	v10 =	vbroadcast v10, $0x0  }
0x17f: {  	v13 =	vld [tilespmem:s31+$0xFFFFFFC0]  }
0x180: {  	v14 =	vld [tilespmem:s1+$0xFFFFFFD0];
	v10 =	vor.u32 v9, v10  }
0x181: {  	v36 =	vld [tilespmem:s31+$0xFFFFFFD0]  }
0x182: {  	v37 =	vld [tilespmem:s1+$0xFFFFFFE0]  }
0x183: {  	s30 =	simm.s32 $0x8040;
	v38 =	vld [tilespmem:s31+$0xFFFFFFE0];
	v11 =	vmul.f32 v12, v11  }
0x184: {  	v12 =	vld [tilespmem:s30+$0x30]  }
0x185: {  	(xrf2) =	vadd.scan.msk.f32 $0xffff, v11;
	v10 =	vld.idx.msk [tilespmem:v10+s18+$0x0], $0xffff  }
0x186: {  	v39 =	vld [tilespmem:s31+$0xFFFFFFF0]  }
0x187: {  	v40 =	vld [tilespmem:s1+$0x0]  }
0x188: {  	v41 =	vld [tilespmem:s31+$0x0]  }
0x189: {  	v42 =	vld [tilespmem:s1+$0x10]  }
0x18a: {  	v43 =	vld [tilespmem:s31+$0x10];
	vm1 =	vne.s32 v12, v10  }
0x18b: {  	v14 =	vmul.f32 v36, v14;
	v11 =	vld [tilespmem:s1+$0xFFFFFFF0];
	vm2 =	vmor vm1, vm0  }
0x18c: {  	s25 =	simm.s32 $0x90;
	v34 =	vld [tilespmem:s1+$0xFFFFFFC0]  }
0x18d: {  	v35 =	vld [tilespmem:s30+$0xFFFFFFD0];
	v30 =	vmov s25;
	v23 =	vmul.f32 v38, v37;
	(xrf2) =	vadd.scan.msk.f32 $0xffff, v14  }
0x18e: {  	s26 =	simm.s32 $0x80;
	v44 =	vld [tilespmem:s1+$0x20];
	v30 =	vshrl.u32 v30, $0x7  }
0x18f: {  	v45 =	vmov s26;
	v50 =	vld [tilespmem:s30+$0xFFFFFFE0];
	v47 =	vshll.u32 v30, v6;
	(xrf2) =	vadd.scan.msk.f32 $0xffff, v23;
	v46, _, _ =	vpop (xrf2)  }
0x190: {  	s26 =	simm.s32 $0xA0;
	v51 =	vld [tilespmem:s30+$0xFFFFFFF0];
	v25 =	vbroadcast v47, $0x0;
	v11 =	vmul.f32 v39, v11;
	v36 =	vsub.f32 $0.0e+00, v46  }
0x191: {  	v32 =	vmov s26;
	s26 =	simm.s32 $0xC0;
	v26 =	vmul.f32 v41, v40;
	v13 =	vmul.f32 v13, v34;
	[tilespmem:v12+s23+$0x0] =	vst.idx.add.f32.msk vm2, v46  }
0x192: {  	v14 =	vmov s26;
	(xrf2) =	vadd.scan.msk.f32 $0xffff, v11;
	[tilespmem:v10+s23+$0x0] =	vst.idx.add.f32.msk vm1, v36;
	vm1 =	vne.s32 v35, v18  }
0x193: {  	v31 =	vld [tilespmem:s31+$0x20];
	v25 =	vor.u32 v0, v25;
	v14 =	vshrl.u32 v14, $0x7;
	vm2 =	vmor vm1, vm0  }
0x194: {  	v52 =	vld [tilespmem:s30+$0x0];
	vm3 =	vne.s32 v50, v19;
	v11 =	vshll.u32 v14, v6;
	v14 =	vmul.f32 v43, v42;
	(xrf2) =	vadd.scan.msk.f32 $0xffff, v26  }
0x195: {  	v48 =	vld [tilespmem:s30+$0xFFFFFFC0];
	vm14 =	vmor vm3, vm0;
	v11 =	vbroadcast v11, $0x0;
	(xrf2) =	vadd.scan.msk.f32 $0xffff, v13  }
0x196: {  	v54 =	vld [tilespmem:s30+$0x10];
	vm5 =	vne.s32 v51, v20;
	(xrf2) =	vadd.scan.msk.f32 $0xffff, v14  }
0x197: {  	v55 =	vld [tilespmem:s30+$0x20];
	vm15 =	vmor vm5, vm0;
	v56 =	vor.u32 v3, v11;
	v57, _, _ =	vpop (xrf2)  }
0x198: {  	v13 =	vmul.f32 v31, v44;
	v14 =	vld.idx.msk [tilespmem:v25+s18+$0x0], $0xffff;
	v58 =	vsub.f32 $0.0e+00, v57  }
0x199: {  	v24 =	vshrl.u32 v45, $0x7;
	vm7 =	vne.s32 v52, v63;
	v59, _, _ =	vpop (xrf2);
	[tilespmem:v35+s23+$0x0] =	vst.idx.add.f32.msk vm2, v57  }
0x19a: {  	(xrf2) =	vadd.scan.msk.f32 $0xffff, v13;
	vm2 =	vmor vm7, vm0;
	[tilespmem:v18+s23+$0x0] =	vst.idx.add.f32.msk vm1, v58;
	v18 =	vsub.f32 $0.0e+00, v59  }
0x19b: {  	v24 =	vshll.u32 v24, v6;
	v32 =	vshrl.u32 v32, $0x7;
	s25 =	simm.s32 $0xB0;
	[tilespmem:v50+s23+$0x0] =	vst.idx.add.f32.msk vm14, v59;
	vm1 =	vne.s32 v54, v17  }
0x19c: {  	v24 =	vbroadcast v24, $0x0;
	v33 =	vmov s25;
	v13 =	vld.idx.msk [tilespmem:v56+s18+$0x0], $0xffff;
	v60, _, _ =	vpop (xrf2);
	vm12 =	vmor vm1, vm0  }
0x19d: {  	v32 =	vshll.u32 v32, v6;
	v12 =	vshrl.u32 v33, $0x7;
	v61 =	vsub.f32 $0.0e+00, v60;
	[tilespmem:v51+s23+$0x0] =	vst.idx.add.f32.msk vm15, v60  }
0x19e: {  	v10 =	vshll.u32 v12, v6;
	v12 =	vbroadcast v32, $0x0;
	[tilespmem:v19+s23+$0x0] =	vst.idx.add.f32.msk vm3, v18;
	v18, _, _ =	vpop (xrf2)  }
0x19f: {  	v49 =	vor.u32 v7, v24;
	vm13 =	vne.s32 v55, v16;
	[tilespmem:v20+s23+$0x0] =	vst.idx.add.f32.msk vm5, v61;
	v19 =	vsub.f32 $0.0e+00, v18;
	v62, _, _ =	vpop (xrf2)  }
0x1a0: {  	s25 =	simm.s32 $0xD0;
	v10 =	vbroadcast v10, $0x0;
	v12 =	vor.u32 v1, v12;
	vm3 =	vmor vm13, vm0;
	[tilespmem:v52+s23+$0x0] =	vst.idx.add.f32.msk vm2, v18;
	v20, _, _ =	vpop (xrf2)  }
0x1a1: {  	s26 =	simm.s32 $0xE0;
	vm14 =	vne.s32 v48, v15;
	v18 =	vsub.f32 $0.0e+00, v20;
	[tilespmem:v63+s23+$0x0] =	vst.idx.add.f32.msk vm7, v19;
	v19 =	vmov s25  }
0x1a2: {  	v53 =	vor.u32 v2, v10;
	v63 =	vmov s26;
	[tilespmem:v54+s23+$0x0] =	vst.idx.add.f32.msk vm12, v20;
	v19 =	vshrl.u32 v19, $0x7  }
0x1a3: {  	vm15 =	vmor vm14, vm0;
	v21 =	vshrl.u32 v63, $0x7;
	[tilespmem:v17+s23+$0x0] =	vst.idx.add.f32.msk vm1, v18;
	v18 =	vshll.u32 v19, v6  }
0x1a4: {  	v10 =	vld.idx.msk [tilespmem:v49+s18+$0x0], $0xffff;
	v20, _, _ =	vpop (xrf2);
	v19 =	vshll.u32 v21, v6;
	v18 =	vbroadcast v18, $0x0  }
0x1a5: {  	v12 =	vld.idx.msk [tilespmem:v12+s18+$0x0], $0xffff;
	v17 =	vsub.f32 $0.0e+00, v20;
	v19 =	vbroadcast v19, $0x0  }
0x1a6: {  	[tilespmem:v55+s23+$0x0] =	vst.idx.add.f32.msk vm3, v20;
	v18 =	vor.u32 v4, v18  }
0x1a7: {  	[tilespmem:v16+s23+$0x0] =	vst.idx.add.f32.msk vm13, v17;
	v17 =	vor.u32 v8, v19  }
0x1a8: {  	v11 =	vld.idx.msk [tilespmem:v53+s18+$0x0], $0xffff;
	v20 =	vsub.f32 $0.0e+00, v62  }
0x1a9: {  	[tilespmem:v48+s23+$0x0] =	vst.idx.add.f32.msk vm15, v62;
	s26 =	simm.s32 $0xF0  }
0x1aa: {  	s0 =	simm.s32 $0x100;
	[tilespmem:v15+s23+$0x0] =	vst.idx.add.f32.msk vm14, v20;
	v19 =	vmov s26  }
.LBB2_8:
0x1ab: {  	p0 =	slt.u32 s0, $0x3F80;
	v16 =	vld.idx.msk [tilespmem:v18+s18+$0x0], $0xffff;
	v18 =	vshrl.u32 v19, $0x7  }
0x1ac: {  	s1 =	sadd.s32 $0x80, s1;
	v15 =	vld.idx.msk [tilespmem:v17+s18+$0x0], $0xffff;
	v17 =	vshll.u32 v18, v6  }
0x1ad: {  	s31 =	sadd.s32 $0x80, s31;
	v18 =	vld [tilespmem:s1+$0x30];
	v17 =	vbroadcast v17, $0x0  }
0x1ae: {  	v19 =	vld [tilespmem:s31+$0x30]  }
0x1af: {  	v20 =	vld [tilespmem:s31+$0xFFFFFFC0];
	v17 =	vor.u32 v9, v17  }
0x1b0: {  	v21 =	vld [tilespmem:s1+$0xFFFFFFD0]  }
0x1b1: {  	v22 =	vld [tilespmem:s31+$0xFFFFFFD0]  }
0x1b2: {  	v23 =	vld [tilespmem:s1+$0xFFFFFFE0]  }
0x1b3: {  	v24 =	vld [tilespmem:s31+$0xFFFFFFE0];
	v18 =	vmul.f32 v19, v18  }
0x1b4: {  	s30 =	sadd.s32 $0x80, s30;
	v17 =	vld.idx.msk [tilespmem:v17+s18+$0x0], $0xffff  }
0x1b5: {  	v19 =	vld [tilespmem:s30+$0x30];
	(xrf2) =	vadd.scan.msk.f32 $0xffff, v18  }
0x1b6: {  	v18 =	vmul.f32 v22, v21;
	v21 =	vld [tilespmem:s1+$0xFFFFFFF0]  }
0x1b7: {  	v22 =	vld [tilespmem:s31+$0xFFFFFFF0]  }
0x1b8: {  	v23 =	vmul.f32 v24, v23;
	v24 =	vld [tilespmem:s1+$0x0];
	(xrf2) =	vadd.scan.msk.f32 $0xffff, v18  }
0x1b9: {  	v18 =	vmov s0;
	v25 =	vld [tilespmem:s31+$0x0]  }
0x1ba: {  	s25 =	sadd.s32 $0x10, s0;
	s26 =	sadd.s32 $0x20, s0;
	v18 =	vshrl.u32 v18, $0x7;
	v26 =	vld [tilespmem:s1+$0x10];
	vm1 =	vne.s32 v19, v17  }
0x1bb: {  	v27 =	vmov s25;
	v28 =	vmov s26;
	s25 =	sadd.s32 $0x30, s0;
	s26 =	sadd.s32 $0x40, s0;
	v29 =	vld [tilespmem:s31+$0x10];
	vm2 =	vmor vm1, vm0;
	(xrf2) =	vadd.scan.msk.f32 $0xffff, v23  }
0x1bc: {  	v30 =	vmov s26;
	v23 =	vmov s25;
	v21 =	vmul.f32 v22, v21;
	v22 =	vld [tilespmem:s1+$0x20]  }
0x1bd: {  	v27 =	vshrl.u32 v27, $0x7;
	v33 =	vshrl.u32 v28, $0x7;
	v18 =	vshll.u32 v18, v6;
	v31 =	vld [tilespmem:s31+$0x20]  }
0x1be: {  	v30 =	vshrl.u32 v30, $0x7;
	v23 =	vshrl.u32 v23, $0x7;
	v32 =	vld [tilespmem:s1+$0xFFFFFFC0];
	v24 =	vmul.f32 v25, v24;
	(xrf2) =	vadd.scan.msk.f32 $0xffff, v21  }
0x1bf: {  	v18 =	vbroadcast v18, $0x0;
	v21 =	vshll.u32 v27, v6;
	v25 =	vshll.u32 v33, v6;
	v27 =	vld [tilespmem:s30+$0xFFFFFFC0];
	v28, _, _ =	vpop (xrf2)  }
0x1c0: {  	v23 =	vshll.u32 v23, v6;
	v33 =	vld [tilespmem:s30+$0xFFFFFFD0];
	v26 =	vmul.f32 v29, v26;
	v29 =	vsub.f32 $0.0e+00, v28  }
0x1c1: {  	v21 =	vbroadcast v21, $0x0;
	v25 =	vbroadcast v25, $0x0;
	[tilespmem:v19+s23+$0x0] =	vst.idx.add.f32.msk vm2, v28;
	(xrf2) =	vadd.scan.msk.f32 $0xffff, v24  }
0x1c2: {  	v19 =	vbroadcast v23, $0x0;
	v23 =	vshll.u32 v30, v6;
	v22 =	vmul.f32 v31, v22;
	[tilespmem:v17+s23+$0x0] =	vst.idx.add.f32.msk vm1, v29;
	v17, _, _ =	vpop (xrf2)  }
0x1c3: {  	v18 =	vor.u32 v7, v18;
	v31 =	vmul.f32 v20, v32;
	v24 =	vsub.f32 $0.0e+00, v17;
	v28 =	vld [tilespmem:s30+$0xFFFFFFE0]  }
0x1c4: {  	v21 =	vor.u32 v0, v21;
	v23 =	vbroadcast v23, $0x0;
	vm1 =	vne.s32 v27, v10;
	v29 =	vld [tilespmem:s30+$0xFFFFFFF0]  }
0x1c5: {  	v25 =	vor.u32 v1, v25;
	vm2 =	vmor vm1, vm0;
	vm6 =	vne.s32 v33, v14;
	v30 =	vld [tilespmem:s30+$0x0];
	(xrf2) =	vadd.scan.msk.f32 $0xffff, v31;
	v20, _, _ =	vpop (xrf2)  }
0x1c6: {  	v19 =	vor.u32 v2, v19;
	vm4 =	vmor vm6, vm0;
	v31 =	vsub.f32 $0.0e+00, v20;
	v32 =	vld [tilespmem:s30+$0x10]  }
0x1c7: {  	v34 =	vld [tilespmem:s30+$0x20]  }
0x1c8: {  	v35 =	vld.idx.msk [tilespmem:v18+s18+$0x0], $0xffff;
	v18 =	vor.u32 v3, v23;
	vm10 =	vne.s32 v28, v12;
	v23, _, _ =	vpop (xrf2);
	(xrf2) =	vadd.scan.msk.f32 $0xffff, v26  }
0x1c9: {  	v21 =	vld.idx.msk [tilespmem:v21+s18+$0x0], $0xffff;
	vm11 =	vmor vm10, vm0;
	vm7 =	vne.s32 v29, v11;
	v26 =	vsub.f32 $0.0e+00, v23  }
0x1ca: {  	v25 =	vld.idx.msk [tilespmem:v25+s18+$0x0], $0xffff;
	vm12 =	vmor vm7, vm0;
	vm5 =	vne.s32 v30, v13  }
0x1cb: {  	v19 =	vld.idx.msk [tilespmem:v19+s18+$0x0], $0xffff;
	vm9 =	vmor vm5, vm0;
	vm3 =	vne.s32 v32, v16;
	v36, _, _ =	vpop (xrf2);
	(xrf2) =	vadd.scan.msk.f32 $0xffff, v22  }
0x1cc: {  	[tilespmem:v33+s23+$0x0] =	vst.idx.add.f32.msk vm4, v17;
	v17 =	vsub.f32 $0.0e+00, v36;
	vm8 =	vmor vm3, vm0;
	vm4 =	vne.s32 v34, v15  }
0x1cd: {  	[tilespmem:v14+s23+$0x0] =	vst.idx.add.f32.msk vm6, v24;
	vm6 =	vmor vm4, vm0  }
0x1ce: {  	v18 =	vld.idx.msk [tilespmem:v18+s18+$0x0], $0xffff;
	v14 =	vmov v21  }
0x1cf: {  	[tilespmem:v28+s23+$0x0] =	vst.idx.add.f32.msk vm11, v20;
	v20, _, _ =	vpop (xrf2)  }
0x1d0: {  	s25 =	sadd.s32 $0x50, s0;
	v21 =	vsub.f32 $0.0e+00, v20;
	[tilespmem:v12+s23+$0x0] =	vst.idx.add.f32.msk vm10, v31;
	v12 =	vmov v25  }
0x1d1: {  	v22 =	vmov s25;
	s25 =	sadd.s32 $0x60, s0;
	[tilespmem:v29+s23+$0x0] =	vst.idx.add.f32.msk vm12, v23  }
0x1d2: {  	v22 =	vshrl.u32 v22, $0x7;
	v23 =	vmov s25;
	[tilespmem:v11+s23+$0x0] =	vst.idx.add.f32.msk vm7, v26;
	v24, _, _ =	vpop (xrf2);
	v11 =	vmov v19  }
0x1d3: {  	v19 =	vshll.u32 v22, v6;
	v26 =	vshrl.u32 v23, $0x7;
	[tilespmem:v30+s23+$0x0] =	vst.idx.add.f32.msk vm9, v36;
	v23 =	vsub.f32 $0.0e+00, v24  }
0x1d4: {  	v19 =	vbroadcast v19, $0x0;
	v25 =	vshll.u32 v26, v6;
	[tilespmem:v13+s23+$0x0] =	vst.idx.add.f32.msk vm5, v17;
	v13 =	vmov v18  }
0x1d5: {  	v17 =	vbroadcast v25, $0x0;
	[tilespmem:v32+s23+$0x0] =	vst.idx.add.f32.msk vm8, v24;
	v22, _, _ =	vpop (xrf2)  }
.Ltmp3:
0x1d6: {  	v18 =	vor.u32 v4, v19;
	[tilespmem:v16+s23+$0x0] =	vst.idx.add.f32.msk vm3, v23;
	v16 =	vsub.f32 $0.0e+00, v22;
	(pc) =	sbr.rel @p0 .LBB2_8-.Ltmp3, $4  }
0x1d7: {  	v17 =	vor.u32 v8, v17;
	[tilespmem:v34+s23+$0x0] =	vst.idx.add.f32.msk vm6, v22  }
0x1d8: {  	[tilespmem:v15+s23+$0x0] =	vst.idx.add.f32.msk vm4, v16  }
0x1d9: {  	s25 =	sadd.s32 $0x70, s0;
	[tilespmem:v27+s23+$0x0] =	vst.idx.add.f32.msk vm2, v20  }
0x1da: {  	s0 =	sadd.s32 $0x80, s0;
	v19 =	vmov s25;
	[tilespmem:v10+s23+$0x0] =	vst.idx.add.f32.msk vm1, v21;
	v10 =	vmov v35  }
0x1db: {  	_ =	sdelay $0x3  }
0x1dc: {  	v16 =	vld.idx.msk [tilespmem:v18+s18+$0x0], $0xffff;
	s0 =	sadd.s32 $0x80, s1  }
0x1dd: {  	s26 =	sadd.s32 $0x80, s31;
	v18 =	vld [tilespmem:s0+$0x30]  }
0x1de: {  	v15 =	vshrl.u32 v19, $0x7;
	v19 =	vld [tilespmem:s26+$0x30]  }
0x1df: {  	v20 =	vld [tilespmem:s26+$0xFFFFFFC0]  }
0x1e0: {  	v21 =	vld [tilespmem:s0+$0xFFFFFFD0]  }
0x1e1: {  	v22 =	vld [tilespmem:s26+$0xFFFFFFD0]  }
0x1e2: {  	v15 =	vshll.u32 v15, v6;
	v23 =	vld [tilespmem:s0+$0xFFFFFFE0]  }
0x1e3: {  	s25 =	sadd.s32 $0x80, s30;
	v24 =	vld [tilespmem:s26+$0xFFFFFFE0];
	v15 =	vbroadcast v15, $0x0  }
0x1e4: {  	v25 =	vld [tilespmem:s25+$0x30]  }
0x1e5: {  	v26 =	vld [tilespmem:s0+$0xFFFFFFF0];
	v15 =	vor.u32 v9, v15  }
0x1e6: {  	v27 =	vld [tilespmem:s26+$0xFFFFFFF0]  }
0x1e7: {  	v28 =	vld [tilespmem:s0+$0x0]  }
0x1e8: {  	v29 =	vld [tilespmem:s0+$0x10]  }
0x1e9: {  	v43 =	vld [tilespmem:s26+$0x10];
	v18 =	vmul.f32 v19, v18  }
0x1ea: {  	v15 =	vld.idx.msk [tilespmem:v15+s18+$0x0], $0xffff  }
0x1eb: {  	v44 =	vld [tilespmem:s0+$0xFFFFFFC0];
	(xrf2) =	vadd.scan.msk.f32 $0xffff, v18;
	v18 =	vmul.f32 v22, v21  }
0x1ec: {  	v19 =	vld [tilespmem:s26+$0x0]  }
0x1ed: {  	v23 =	vmul.f32 v24, v23;
	(xrf2) =	vadd.scan.msk.f32 $0xffff, v18;
	v18 =	vld [tilespmem:s25+$0xFFFFFFD0]  }
0x1ee: {  	v47 =	vld [tilespmem:s25+$0xFFFFFFE0]  }
0x1ef: {  	v45 =	vld [tilespmem:s0+$0x20];
	v46 =	vmul.f32 v27, v26;
	(xrf2) =	vadd.scan.msk.f32 $0xffff, v23;
	vm1 =	vne.s32 v25, v15  }
0x1f0: {  	v48 =	vld [tilespmem:s26+$0x20];
	vm2 =	vmor vm1, vm0  }
0x1f1: {  	v49 =	vld [tilespmem:s25+$0xFFFFFFF0];
	v20 =	vmul.f32 v20, v44;
	v19 =	vmul.f32 v19, v28;
	(xrf2) =	vadd.scan.msk.f32 $0xffff, v46  }
0x1f2: {  	v17 =	vld.idx.msk [tilespmem:v17+s18+$0x0], $0xffff;
	vm3 =	vne.s32 v18, v14  }
0x1f3: {  	vm5 =	vne.s32 v47, v12;
	v21 =	vmul.f32 v43, v29;
	(xrf2) =	vadd.scan.msk.f32 $0xffff, v19;
	v19 =	vld [tilespmem:s25+$0x0];
	vm4 =	vmor vm3, vm0  }
0x1f4: {  	v50 =	vld [tilespmem:s25+$0xFFFFFFC0];
	vm6 =	vmor vm5, vm0;
	(xrf2) =	vadd.scan.msk.f32 $0xffff, v20  }
0x1f5: {  	v51 =	vld [tilespmem:s25+$0x10];
	v24 =	vmul.f32 v48, v45;
	v20, _, _ =	vpop (xrf2);
	(xrf2) =	vadd.scan.msk.f32 $0xffff, v21  }
0x1f6: {  	v52 =	vsub.f32 $0.0e+00, v20;
	[tilespmem:v25+s23+$0x0] =	vst.idx.add.f32.msk vm2, v20;
	vm2 =	vne.s32 v49, v11  }
0x1f7: {  	v53 =	vld [tilespmem:s25+$0x20];
	v20, _, _ =	vpop (xrf2);
	(xrf2) =	vadd.scan.msk.f32 $0xffff, v24;
	vm7 =	vmor vm2, vm0  }
0x1f8: {  	[tilespmem:v15+s23+$0x0] =	vst.idx.add.f32.msk vm1, v52;
	vm1 =	vne.s32 v19, v13  }
0x1f9: {  	v15 =	vsub.f32 $0.0e+00, v20;
	v54, _, _ =	vpop (xrf2);
	[tilespmem:v18+s23+$0x0] =	vst.idx.add.f32.msk vm4, v20;
	vm8 =	vmor vm1, vm0  }
0x1fa: {  	vm10 =	vne.s32 v51, v16;
	v18 =	vsub.f32 $0.0e+00, v54;
	[tilespmem:v47+s23+$0x0] =	vst.idx.add.f32.msk vm6, v54  }
0x1fb: {  	[tilespmem:v14+s23+$0x0] =	vst.idx.add.f32.msk vm3, v15;
	v14, _, _ =	vpop (xrf2);
	vm3 =	vmor vm10, vm0  }
0x1fc: {  	vm11 =	vne.s32 v53, v17;
	v15 =	vsub.f32 $0.0e+00, v14;
	[tilespmem:v12+s23+$0x0] =	vst.idx.add.f32.msk vm5, v18  }
0x1fd: {  	vm12 =	vmor vm11, vm0;
	v12, _, _ =	vpop (xrf2);
	[tilespmem:v49+s23+$0x0] =	vst.idx.add.f32.msk vm7, v14  }
0x1fe: {  	vm13 =	vne.s32 v50, v10;
	v18, _, _ =	vpop (xrf2);
	v14 =	vsub.f32 $0.0e+00, v12;
	[tilespmem:v11+s23+$0x0] =	vst.idx.add.f32.msk vm2, v15  }
0x1ff: {  	vm2 =	vmor vm13, vm0;
	v11, _, _ =	vpop (xrf2);
	[tilespmem:v19+s23+$0x0] =	vst.idx.add.f32.msk vm8, v12  }
0x200: {  	v12 =	vsub.f32 $0.0e+00, v11;
	[tilespmem:v13+s23+$0x0] =	vst.idx.add.f32.msk vm1, v14  }
0x201: {  	[tilespmem:v51+s23+$0x0] =	vst.idx.add.f32.msk vm3, v11;
	v11, _, _ =	vpop (xrf2)  }
0x202: {  	[tilespmem:v16+s23+$0x0] =	vst.idx.add.f32.msk vm10, v12;
	v12 =	vsub.f32 $0.0e+00, v11  }
0x203: {  	[tilespmem:v53+s23+$0x0] =	vst.idx.add.f32.msk vm12, v11  }
0x204: {  	s26 =	simm.s32 $0x20;
	s25 =	simm.s32 $0x10;
	v11 =	vsub.f32 $0.0e+00, v18;
	[tilespmem:v17+s23+$0x0] =	vst.idx.add.f32.msk vm11, v12  }
0x205: {  	s1 =	simm.s32 $0x0;
	v13 =	vmov s25;
	v14 =	vmov s26;
	[tilespmem:v50+s23+$0x0] =	vst.idx.add.f32.msk vm2, v18  }
0x206: {  	s26 =	simm.s32 $0x50;
	v13 =	vshrl.u32 v13, $0x7;
	v14 =	vshrl.u32 v14, $0x7;
	v12 =	vmov s1;
	[tilespmem:v10+s23+$0x0] =	vst.idx.add.f32.msk vm13, v11  }
0x207: {  	v15 =	vmov s26;
	v13 =	vshll.u32 v13, v6;
	v12 =	vshrl.u32 v12, $0x7;
	_ =	swait.ge [sflag:s24], $0x4000  }
0x208: {  	v14 =	vshll.u32 v14, v6;
	v15 =	vshrl.u32 v15, $0x7;
	s1 =	simm.s32 $0x30;
	v12 =	vshll.u32 v12, v6;
	[sflag:s24] =	ssyncset.done $0x0  }
0x209: {  	s25 =	simm.s32 $0x40;
	v13 =	vbroadcast v13, $0x0;
	v10 =	vmov s1;
	v12 =	vbroadcast v12, $0x0;
	[sflag:s24] =	ssyncadd.s32 $0xFFFFC000  }
0x20a: {  	v14 =	vbroadcast v14, $0x0;
	v11 =	vmov s25;
	v10 =	vshrl.u32 v10, $0x7;
	_ =	swait.ge [sflag:s24], $0x4000  }
0x20b: {  	v11 =	vshrl.u32 v11, $0x7;
	v10 =	vshll.u32 v10, v6;
	v12 =	vor.u32 v7, v12;
	[sflag:s24] =	ssyncset.done $0x0  }
0x20c: {  	v13 =	vor.u32 v0, v13;
	s1 =	simm.s32 $0x60;
	v11 =	vshll.u32 v11, v6;
	v10 =	vbroadcast v10, $0x0;
	[sflag:s24] =	ssyncadd.s32 $0xFFFFC000  }
0x20d: {  	v14 =	vor.u32 v1, v14;
	v16 =	vmov s1;
	v11 =	vbroadcast v11, $0x0;
	_ =	swait.ge [sflag:s24], $0x4000  }
0x20e: {  	v15 =	vshll.u32 v15, v6;
	v16 =	vshrl.u32 v16, $0x7;
	v10 =	vor.u32 v2, v10;
	[sflag:s24] =	ssyncset.done $0x0  }
0x20f: {  	v17 =	vbroadcast v15, $0x0;
	v15 =	vshll.u32 v16, v6;
	v11 =	vor.u32 v3, v11;
	[sflag:s24] =	ssyncadd.s32 $0xFFFFC000  }
0x210: {  	v16 =	vbroadcast v15, $0x0;
	v15 =	vld.idx.msk [tilespmem:v12+s21+$0x0], $0xffff  }
0x211: {  	v13 =	vld.idx.msk [tilespmem:v13+s21+$0x0], $0xffff  }
0x212: {  	v18 =	vld.idx.msk [tilespmem:v14+s21+$0x0], $0xffff  }
0x213: {  	v12 =	vor.u32 v4, v17;
	v19 =	vld.idx.msk [tilespmem:v10+s21+$0x0], $0xffff  }
0x214: {  	s25 =	simm.s32 $0x70;
	s1 =	simm.s32 $0xC040;
	v20 =	vld.idx.msk [tilespmem:v11+s21+$0x0], $0xffff  }
0x215: {  	s31 =	simm.s32 $0x10040;
	v10 =	vmov s25;
	v11 =	vld [tilespmem:s1+$0x30]  }
0x216: {  	v14 =	vld [tilespmem:s31+$0xFFFFFFC0];
	v10 =	vshrl.u32 v10, $0x7  }
0x217: {  	v55 =	vld [tilespmem:s1+$0xFFFFFFD0];
	v10 =	vshll.u32 v10, v6  }
0x218: {  	v10 =	vbroadcast v10, $0x0;
	v17 =	vld.idx.msk [tilespmem:v12+s21+$0x0], $0xffff  }
0x219: {  	v12 =	vld [tilespmem:s31+$0x30]  }
0x21a: {  	v56 =	vld [tilespmem:s31+$0xFFFFFFD0];
	v10 =	vor.u32 v9, v10  }
0x21b: {  	v57 =	vld [tilespmem:s1+$0xFFFFFFE0]  }
0x21c: {  	v58 =	vld [tilespmem:s31+$0xFFFFFFE0]  }
0x21d: {  	v59 =	vld [tilespmem:s31+$0xFFFFFFF0]  }
0x21e: {  	v60 =	vld [tilespmem:s1+$0x0];
	v11 =	vmul.f32 v12, v11  }
0x21f: {  	s30 =	simm.s32 $0x14040;
	v10 =	vld.idx.msk [tilespmem:v10+s21+$0x0], $0xffff  }
0x220: {  	v12 =	vld [tilespmem:s30+$0x30];
	(xrf2) =	vadd.scan.msk.f32 $0xffff, v11  }
0x221: {  	v61 =	vld [tilespmem:s31+$0x0]  }
0x222: {  	v62 =	vld [tilespmem:s1+$0x10]  }
0x223: {  	v63 =	vld [tilespmem:s31+$0x10]  }
0x224: {  	v40 =	vld [tilespmem:s1+$0x20]  }
0x225: {  	v21 =	vmul.f32 v56, v55;
	v11 =	vld [tilespmem:s1+$0xFFFFFFF0];
	vm1 =	vne.s32 v12, v10  }
0x226: {  	v34 =	vld [tilespmem:s1+$0xFFFFFFC0];
	v23 =	vmul.f32 v58, v57;
	vm2 =	vmor vm1, vm0  }
0x227: {  	s26 =	simm.s32 $0x80;
	s25 =	simm.s32 $0x90;
	v47 =	vld [tilespmem:s30+$0xFFFFFFE0];
	(xrf2) =	vadd.scan.msk.f32 $0xffff, v21  }
0x228: {  	v41 =	vmov s26;
	v35 =	vld [tilespmem:s30+$0xFFFFFFD0];
	v30 =	vmov s25;
	(xrf2) =	vadd.scan.msk.f32 $0xffff, v23  }
0x229: {  	v24 =	vshrl.u32 v41, $0x7;
	v31 =	vld [tilespmem:s31+$0x20];
	v30 =	vshrl.u32 v30, $0x7  }
0x22a: {  	v16 =	vor.u32 v8, v16;
	v48 =	vld [tilespmem:s30+$0xFFFFFFF0];
	v44 =	vshll.u32 v30, v6;
	v11 =	vmul.f32 v59, v11;
	v43, _, _ =	vpop (xrf2)  }
0x22b: {  	v49 =	vld [tilespmem:s30+$0x0];
	v25 =	vbroadcast v44, $0x0;
	v26 =	vmul.f32 v61, v60;
	v36 =	vsub.f32 $0.0e+00, v43  }
0x22c: {  	v14 =	vmul.f32 v14, v34;
	vm3 =	vne.s32 v47, v18;
	(xrf2) =	vadd.scan.msk.f32 $0xffff, v11;
	[tilespmem:v12+s23+$0x0] =	vst.idx.add.f32.msk vm2, v43  }
0x22d: {  	v25 =	vor.u32 v0, v25;
	vm14 =	vmor vm3, vm0;
	[tilespmem:v10+s23+$0x0] =	vst.idx.add.f32.msk vm1, v36;
	vm1 =	vne.s32 v35, v13  }
0x22e: {  	v24 =	vshll.u32 v24, v6;
	v45 =	vld [tilespmem:s30+$0xFFFFFFC0];
	v28 =	vmul.f32 v63, v62;
	(xrf2) =	vadd.scan.msk.f32 $0xffff, v26;
	vm2 =	vmor vm1, vm0  }
0x22f: {  	s26 =	simm.s32 $0xA0;
	v24 =	vbroadcast v24, $0x0;
	v51 =	vld [tilespmem:s30+$0x10];
	(xrf2) =	vadd.scan.msk.f32 $0xffff, v14  }
0x230: {  	v32 =	vmov s26;
	v52 =	vld [tilespmem:s30+$0x20];
	(xrf2) =	vadd.scan.msk.f32 $0xffff, v28  }
0x231: {  	v46 =	vor.u32 v7, v24;
	v16 =	vld.idx.msk [tilespmem:v16+s21+$0x0], $0xffff;
	s25 =	simm.s32 $0xB0;
	v22 =	vmul.f32 v31, v40;
	vm5 =	vne.s32 v48, v19;
	v54, _, _ =	vpop (xrf2)  }
0x232: {  	v33 =	vmov s25;
	vm7 =	vne.s32 v49, v20;
	vm15 =	vmor vm5, vm0;
	v14 =	vld.idx.msk [tilespmem:v25+s21+$0x0], $0xffff;
	v56, _, _ =	vpop (xrf2)  }
0x233: {  	v12 =	vshrl.u32 v33, $0x7;
	(xrf2) =	vadd.scan.msk.f32 $0xffff, v22;
	v55 =	vsub.f32 $0.0e+00, v54;
	[tilespmem:v47+s23+$0x0] =	vst.idx.add.f32.msk vm14, v56  }
0x234: {  	v10 =	vshll.u32 v12, v6;
	v57 =	vsub.f32 $0.0e+00, v56;
	[tilespmem:v35+s23+$0x0] =	vst.idx.add.f32.msk vm2, v54;
	vm2 =	vmor vm7, vm0  }
0x235: {  	s26 =	simm.s32 $0xC0;
	v32 =	vshrl.u32 v32, $0x7;
	v10 =	vbroadcast v10, $0x0;
	[tilespmem:v13+s23+$0x0] =	vst.idx.add.f32.msk vm1, v55;
	vm1 =	vne.s32 v51, v17  }
0x236: {  	v42 =	vmov s26;
	v32 =	vshll.u32 v32, v6;
	[tilespmem:v18+s23+$0x0] =	vst.idx.add.f32.msk vm3, v57;
	v58, _, _ =	vpop (xrf2);
	vm12 =	vmor vm1, vm0  }
0x237: {  	v12 =	vbroadcast v32, $0x0;
	v50 =	vor.u32 v2, v10;
	v10 =	vld.idx.msk [tilespmem:v46+s21+$0x0], $0xffff;
	v59 =	vsub.f32 $0.0e+00, v58  }
0x238: {  	vm13 =	vne.s32 v52, v16;
	v21 =	vshrl.u32 v42, $0x7;
	v18, _, _ =	vpop (xrf2);
	[tilespmem:v48+s23+$0x0] =	vst.idx.add.f32.msk vm15, v58  }
0x239: {  	s26 =	simm.s32 $0xE0;
	v12 =	vor.u32 v1, v12;
	vm3 =	vmor vm13, vm0;
	v60 =	vsub.f32 $0.0e+00, v18;
	v61, _, _ =	vpop (xrf2);
	[tilespmem:v19+s23+$0x0] =	vst.idx.add.f32.msk vm5, v59  }
0x23a: {  	s25 =	simm.s32 $0xD0;
	v62 =	vmov s26;
	v11 =	vshll.u32 v21, v6;
	v19, _, _ =	vpop (xrf2);
	[tilespmem:v49+s23+$0x0] =	vst.idx.add.f32.msk vm2, v18  }
0x23b: {  	v11 =	vbroadcast v11, $0x0;
	v18 =	vsub.f32 $0.0e+00, v19;
	[tilespmem:v20+s23+$0x0] =	vst.idx.add.f32.msk vm7, v60;
	v20 =	vmov s25  }
0x23c: {  	v21 =	vshrl.u32 v62, $0x7;
	vm14 =	vne.s32 v45, v15;
	[tilespmem:v51+s23+$0x0] =	vst.idx.add.f32.msk vm12, v19;
	v20 =	vshrl.u32 v20, $0x7  }
0x23d: {  	v53 =	vor.u32 v3, v11;
	vm15 =	vmor vm14, vm0;
	[tilespmem:v17+s23+$0x0] =	vst.idx.add.f32.msk vm1, v18;
	v18 =	vshll.u32 v20, v6  }
0x23e: {  	v12 =	vld.idx.msk [tilespmem:v12+s21+$0x0], $0xffff;
	v19, _, _ =	vpop (xrf2);
	v20 =	vshll.u32 v21, v6;
	v18 =	vbroadcast v18, $0x0  }
0x23f: {  	v17 =	vsub.f32 $0.0e+00, v19;
	[tilespmem:v52+s23+$0x0] =	vst.idx.add.f32.msk vm3, v19;
	v19 =	vbroadcast v20, $0x0  }
0x240: {  	v11 =	vld.idx.msk [tilespmem:v50+s21+$0x0], $0xffff;
	v18 =	vor.u32 v4, v18  }
0x241: {  	[tilespmem:v16+s23+$0x0] =	vst.idx.add.f32.msk vm13, v17;
	v17 =	vor.u32 v8, v19  }
0x242: {  	v63 =	vsub.f32 $0.0e+00, v61;
	v13 =	vld.idx.msk [tilespmem:v53+s21+$0x0], $0xffff  }
0x243: {  	s26 =	simm.s32 $0xF0;
	[tilespmem:v45+s23+$0x0] =	vst.idx.add.f32.msk vm15, v61  }
0x244: {  	s0 =	simm.s32 $0x100;
	[tilespmem:v15+s23+$0x0] =	vst.idx.add.f32.msk vm14, v63;
	v19 =	vmov s26  }
.LBB2_10:
0x245: {  	p0 =	slt.u32 s0, $0x3F80;
	v16 =	vld.idx.msk [tilespmem:v18+s21+$0x0], $0xffff;
	v18 =	vshrl.u32 v19, $0x7  }
0x246: {  	s1 =	sadd.s32 $0x80, s1;
	v15 =	vld.idx.msk [tilespmem:v17+s21+$0x0], $0xffff;
	v17 =	vshll.u32 v18, v6  }
0x247: {  	s31 =	sadd.s32 $0x80, s31;
	v18 =	vld [tilespmem:s1+$0x30];
	v17 =	vbroadcast v17, $0x0  }
0x248: {  	v19 =	vld [tilespmem:s31+$0x30]  }
0x249: {  	v20 =	vld [tilespmem:s31+$0xFFFFFFC0];
	v17 =	vor.u32 v9, v17  }
0x24a: {  	v21 =	vld [tilespmem:s1+$0xFFFFFFD0]  }
0x24b: {  	v22 =	vld [tilespmem:s31+$0xFFFFFFD0]  }
0x24c: {  	v23 =	vld [tilespmem:s1+$0xFFFFFFE0]  }
0x24d: {  	v24 =	vld [tilespmem:s31+$0xFFFFFFE0];
	v18 =	vmul.f32 v19, v18  }
0x24e: {  	s30 =	sadd.s32 $0x80, s30;
	v17 =	vld.idx.msk [tilespmem:v17+s21+$0x0], $0xffff  }
0x24f: {  	v19 =	vld [tilespmem:s30+$0x30];
	(xrf2) =	vadd.scan.msk.f32 $0xffff, v18  }
0x250: {  	v18 =	vmul.f32 v22, v21;
	v21 =	vld [tilespmem:s1+$0xFFFFFFF0]  }
0x251: {  	v22 =	vld [tilespmem:s31+$0xFFFFFFF0]  }
0x252: {  	v23 =	vmul.f32 v24, v23;
	v24 =	vld [tilespmem:s1+$0x0];
	(xrf2) =	vadd.scan.msk.f32 $0xffff, v18  }
0x253: {  	v18 =	vmov s0;
	v25 =	vld [tilespmem:s31+$0x0]  }
0x254: {  	s25 =	sadd.s32 $0x10, s0;
	s26 =	sadd.s32 $0x20, s0;
	v18 =	vshrl.u32 v18, $0x7;
	v26 =	vld [tilespmem:s1+$0x10];
	vm1 =	vne.s32 v19, v17  }
0x255: {  	v27 =	vmov s25;
	v28 =	vmov s26;
	s25 =	sadd.s32 $0x30, s0;
	s26 =	sadd.s32 $0x40, s0;
	v29 =	vld [tilespmem:s31+$0x10];
	vm2 =	vmor vm1, vm0;
	(xrf2) =	vadd.scan.msk.f32 $0xffff, v23  }
0x256: {  	v30 =	vmov s26;
	v23 =	vmov s25;
	v21 =	vmul.f32 v22, v21;
	v22 =	vld [tilespmem:s1+$0x20]  }
0x257: {  	v27 =	vshrl.u32 v27, $0x7;
	v33 =	vshrl.u32 v28, $0x7;
	v18 =	vshll.u32 v18, v6;
	v31 =	vld [tilespmem:s31+$0x20]  }
0x258: {  	v30 =	vshrl.u32 v30, $0x7;
	v23 =	vshrl.u32 v23, $0x7;
	v32 =	vld [tilespmem:s1+$0xFFFFFFC0];
	v24 =	vmul.f32 v25, v24;
	(xrf2) =	vadd.scan.msk.f32 $0xffff, v21  }
0x259: {  	v18 =	vbroadcast v18, $0x0;
	v21 =	vshll.u32 v27, v6;
	v25 =	vshll.u32 v33, v6;
	v27 =	vld [tilespmem:s30+$0xFFFFFFC0];
	v28, _, _ =	vpop (xrf2)  }
0x25a: {  	v23 =	vshll.u32 v23, v6;
	v33 =	vld [tilespmem:s30+$0xFFFFFFD0];
	v26 =	vmul.f32 v29, v26;
	v29 =	vsub.f32 $0.0e+00, v28  }
0x25b: {  	v21 =	vbroadcast v21, $0x0;
	v25 =	vbroadcast v25, $0x0;
	[tilespmem:v19+s23+$0x0] =	vst.idx.add.f32.msk vm2, v28;
	(xrf2) =	vadd.scan.msk.f32 $0xffff, v24  }
0x25c: {  	v19 =	vbroadcast v23, $0x0;
	v23 =	vshll.u32 v30, v6;
	v22 =	vmul.f32 v31, v22;
	[tilespmem:v17+s23+$0x0] =	vst.idx.add.f32.msk vm1, v29;
	v17, _, _ =	vpop (xrf2)  }
0x25d: {  	v18 =	vor.u32 v7, v18;
	v31 =	vmul.f32 v20, v32;
	v24 =	vsub.f32 $0.0e+00, v17;
	v28 =	vld [tilespmem:s30+$0xFFFFFFE0]  }
0x25e: {  	v21 =	vor.u32 v0, v21;
	v23 =	vbroadcast v23, $0x0;
	vm1 =	vne.s32 v27, v10;
	v29 =	vld [tilespmem:s30+$0xFFFFFFF0]  }
0x25f: {  	v25 =	vor.u32 v1, v25;
	vm2 =	vmor vm1, vm0;
	vm6 =	vne.s32 v33, v14;
	v30 =	vld [tilespmem:s30+$0x0];
	(xrf2) =	vadd.scan.msk.f32 $0xffff, v31;
	v20, _, _ =	vpop (xrf2)  }
0x260: {  	v19 =	vor.u32 v2, v19;
	vm4 =	vmor vm6, vm0;
	v31 =	vsub.f32 $0.0e+00, v20;
	v32 =	vld [tilespmem:s30+$0x10]  }
0x261: {  	v34 =	vld [tilespmem:s30+$0x20]  }
0x262: {  	v35 =	vld.idx.msk [tilespmem:v18+s21+$0x0], $0xffff;
	v18 =	vor.u32 v3, v23;
	vm10 =	vne.s32 v28, v12;
	v23, _, _ =	vpop (xrf2);
	(xrf2) =	vadd.scan.msk.f32 $0xffff, v26  }
0x263: {  	v21 =	vld.idx.msk [tilespmem:v21+s21+$0x0], $0xffff;
	vm11 =	vmor vm10, vm0;
	vm7 =	vne.s32 v29, v11;
	v26 =	vsub.f32 $0.0e+00, v23  }
0x264: {  	v25 =	vld.idx.msk [tilespmem:v25+s21+$0x0], $0xffff;
	vm12 =	vmor vm7, vm0;
	vm5 =	vne.s32 v30, v13  }
0x265: {  	v19 =	vld.idx.msk [tilespmem:v19+s21+$0x0], $0xffff;
	vm9 =	vmor vm5, vm0;
	vm3 =	vne.s32 v32, v16;
	v36, _, _ =	vpop (xrf2);
	(xrf2) =	vadd.scan.msk.f32 $0xffff, v22  }
0x266: {  	[tilespmem:v33+s23+$0x0] =	vst.idx.add.f32.msk vm4, v17;
	v17 =	vsub.f32 $0.0e+00, v36;
	vm8 =	vmor vm3, vm0;
	vm4 =	vne.s32 v34, v15  }
0x267: {  	[tilespmem:v14+s23+$0x0] =	vst.idx.add.f32.msk vm6, v24;
	vm6 =	vmor vm4, vm0  }
0x268: {  	v18 =	vld.idx.msk [tilespmem:v18+s21+$0x0], $0xffff;
	v14 =	vmov v21  }
0x269: {  	[tilespmem:v28+s23+$0x0] =	vst.idx.add.f32.msk vm11, v20;
	v20, _, _ =	vpop (xrf2)  }
0x26a: {  	s25 =	sadd.s32 $0x50, s0;
	v21 =	vsub.f32 $0.0e+00, v20;
	[tilespmem:v12+s23+$0x0] =	vst.idx.add.f32.msk vm10, v31;
	v12 =	vmov v25  }
0x26b: {  	v22 =	vmov s25;
	s25 =	sadd.s32 $0x60, s0;
	[tilespmem:v29+s23+$0x0] =	vst.idx.add.f32.msk vm12, v23  }
0x26c: {  	v22 =	vshrl.u32 v22, $0x7;
	v23 =	vmov s25;
	[tilespmem:v11+s23+$0x0] =	vst.idx.add.f32.msk vm7, v26;
	v24, _, _ =	vpop (xrf2);
	v11 =	vmov v19  }
0x26d: {  	v19 =	vshll.u32 v22, v6;
	v26 =	vshrl.u32 v23, $0x7;
	[tilespmem:v30+s23+$0x0] =	vst.idx.add.f32.msk vm9, v36;
	v23 =	vsub.f32 $0.0e+00, v24  }
0x26e: {  	v19 =	vbroadcast v19, $0x0;
	v25 =	vshll.u32 v26, v6;
	[tilespmem:v13+s23+$0x0] =	vst.idx.add.f32.msk vm5, v17;
	v13 =	vmov v18  }
0x26f: {  	v17 =	vbroadcast v25, $0x0;
	[tilespmem:v32+s23+$0x0] =	vst.idx.add.f32.msk vm8, v24;
	v22, _, _ =	vpop (xrf2)  }
.Ltmp4:
0x270: {  	v18 =	vor.u32 v4, v19;
	[tilespmem:v16+s23+$0x0] =	vst.idx.add.f32.msk vm3, v23;
	v16 =	vsub.f32 $0.0e+00, v22;
	(pc) =	sbr.rel @p0 .LBB2_10-.Ltmp4, $4  }
0x271: {  	v17 =	vor.u32 v8, v17;
	[tilespmem:v34+s23+$0x0] =	vst.idx.add.f32.msk vm6, v22  }
0x272: {  	[tilespmem:v15+s23+$0x0] =	vst.idx.add.f32.msk vm4, v16  }
0x273: {  	s25 =	sadd.s32 $0x70, s0;
	[tilespmem:v27+s23+$0x0] =	vst.idx.add.f32.msk vm2, v20  }
0x274: {  	s0 =	sadd.s32 $0x80, s0;
	v19 =	vmov s25;
	[tilespmem:v10+s23+$0x0] =	vst.idx.add.f32.msk vm1, v21;
	v10 =	vmov v35  }
0x275: {  	_ =	sdelay $0x3  }
0x276: {  	v16 =	vld.idx.msk [tilespmem:v18+s21+$0x0], $0xffff;
	s0 =	sadd.s32 $0x80, s1  }
0x277: {  	s26 =	sadd.s32 $0x80, s31;
	v35 =	vld [tilespmem:s0+$0x30]  }
0x278: {  	v36 =	vld [tilespmem:s26+$0x30]  }
0x279: {  	v20 =	vld [tilespmem:s26+$0xFFFFFFC0]  }
0x27a: {  	v21 =	vld [tilespmem:s0+$0xFFFFFFD0]  }
0x27b: {  	v15 =	vshrl.u32 v19, $0x7;
	v22 =	vld [tilespmem:s26+$0xFFFFFFD0]  }
0x27c: {  	v15 =	vshll.u32 v15, v6;
	v23 =	vld [tilespmem:s0+$0xFFFFFFE0]  }
0x27d: {  	s25 =	sadd.s32 $0x80, s30;
	v24 =	vld [tilespmem:s26+$0xFFFFFFE0];
	v15 =	vbroadcast v15, $0x0  }
0x27e: {  	v25 =	vld [tilespmem:s25+$0x30]  }
0x27f: {  	v26 =	vld [tilespmem:s0+$0xFFFFFFF0];
	v15 =	vor.u32 v9, v15  }
0x280: {  	v27 =	vld [tilespmem:s26+$0xFFFFFFF0]  }
0x281: {  	v28 =	vld [tilespmem:s0+$0x0]  }
0x282: {  	v37 =	vld [tilespmem:s26+$0x0]  }
0x283: {  	v29 =	vld [tilespmem:s0+$0x10];
	v18 =	vmul.f32 v36, v35  }
0x284: {  	v15 =	vld.idx.msk [tilespmem:v15+s21+$0x0], $0xffff  }
0x285: {  	v39 =	vld [tilespmem:s26+$0x10];
	v38 =	vmul.f32 v22, v21;
	(xrf2) =	vadd.scan.msk.f32 $0xffff, v18  }
0x286: {  	v40 =	vld [tilespmem:s0+$0xFFFFFFC0]  }
0x287: {  	v41 =	vld [tilespmem:s25+$0xFFFFFFD0];
	v23 =	vmul.f32 v24, v23;
	(xrf2) =	vadd.scan.msk.f32 $0xffff, v38  }
0x288: {  	v44 =	vld [tilespmem:s25+$0xFFFFFFE0]  }
0x289: {  	v42 =	vld [tilespmem:s0+$0x20];
	v43 =	vmul.f32 v27, v26;
	(xrf2) =	vadd.scan.msk.f32 $0xffff, v23;
	vm1 =	vne.s32 v25, v15  }
0x28a: {  	v45 =	vld [tilespmem:s26+$0x20];
	vm2 =	vmor vm1, vm0  }
0x28b: {  	v46 =	vld [tilespmem:s25+$0xFFFFFFF0];
	v19 =	vmul.f32 v37, v28;
	(xrf2) =	vadd.scan.msk.f32 $0xffff, v43  }
0x28c: {  	v17 =	vld.idx.msk [tilespmem:v17+s21+$0x0], $0xffff;
	vm3 =	vne.s32 v41, v14  }
0x28d: {  	v47 =	vld [tilespmem:s25+$0x0];
	v20 =	vmul.f32 v20, v40;
	vm5 =	vne.s32 v44, v12;
	vm4 =	vmor vm3, vm0;
	(xrf2) =	vadd.scan.msk.f32 $0xffff, v19  }
0x28e: {  	v50 =	vld [tilespmem:s25+$0x10];
	v21 =	vmul.f32 v39, v29;
	vm6 =	vmor vm5, vm0  }
0x28f: {  	v53 =	vld [tilespmem:s25+$0x20];
	v24 =	vmul.f32 v45, v42;
	(xrf2) =	vadd.scan.msk.f32 $0xffff, v20;
	v49, _, _ =	vpop (xrf2)  }
0x290: {  	(xrf2) =	vadd.scan.msk.f32 $0xffff, v21;
	v51 =	vsub.f32 $0.0e+00, v49;
	[tilespmem:v25+s23+$0x0] =	vst.idx.add.f32.msk vm2, v49;
	vm2 =	vne.s32 v46, v11  }
0x291: {  	v48 =	vld [tilespmem:s25+$0xFFFFFFC0];
	v52, _, _ =	vpop (xrf2);
	(xrf2) =	vadd.scan.msk.f32 $0xffff, v24;
	vm7 =	vmor vm2, vm0  }
0x292: {  	[tilespmem:v15+s23+$0x0] =	vst.idx.add.f32.msk vm1, v51;
	vm1 =	vne.s32 v47, v13  }
0x293: {  	v54 =	vsub.f32 $0.0e+00, v52;
	v55, _, _ =	vpop (xrf2);
	[tilespmem:v41+s23+$0x0] =	vst.idx.add.f32.msk vm4, v52;
	vm8 =	vmor vm1, vm0  }
0x294: {  	vm12 =	vne.s32 v50, v16;
	v56 =	vsub.f32 $0.0e+00, v55;
	[tilespmem:v44+s23+$0x0] =	vst.idx.add.f32.msk vm6, v55  }
0x295: {  	vm13 =	vne.s32 v53, v17;
	v57, _, _ =	vpop (xrf2);
	[tilespmem:v14+s23+$0x0] =	vst.idx.add.f32.msk vm3, v54;
	vm3 =	vmor vm12, vm0  }
0x296: {  	vm14 =	vmor vm13, vm0;
	v58 =	vsub.f32 $0.0e+00, v57;
	[tilespmem:v12+s23+$0x0] =	vst.idx.add.f32.msk vm5, v56  }
0x297: {  	v59, _, _ =	vpop (xrf2);
	[tilespmem:v46+s23+$0x0] =	vst.idx.add.f32.msk vm7, v57  }
0x298: {  	vm15 =	vne.s32 v48, v10;
	v60 =	vsub.f32 $0.0e+00, v59;
	[tilespmem:v11+s23+$0x0] =	vst.idx.add.f32.msk vm2, v58  }
0x299: {  	v61, _, _ =	vpop (xrf2);
	vm2 =	vmor vm15, vm0;
	[tilespmem:v47+s23+$0x0] =	vst.idx.add.f32.msk vm8, v59  }
0x29a: {  	v11, _, _ =	vpop (xrf2);
	[tilespmem:v13+s23+$0x0] =	vst.idx.add.f32.msk vm1, v60  }
0x29b: {  	v62 =	vsub.f32 $0.0e+00, v11;
	[tilespmem:v50+s23+$0x0] =	vst.idx.add.f32.msk vm3, v11;
	v11, _, _ =	vpop (xrf2)  }
0x29c: {  	v63 =	vsub.f32 $0.0e+00, v11;
	[tilespmem:v53+s23+$0x0] =	vst.idx.add.f32.msk vm14, v11  }
0x29d: {  	[tilespmem:v16+s23+$0x0] =	vst.idx.add.f32.msk vm12, v62  }
0x29e: {  	s29 =	sadd.s32 $0x1, s29;
	v11 =	vsub.f32 $0.0e+00, v61;
	[tilespmem:v17+s23+$0x0] =	vst.idx.add.f32.msk vm13, v63  }
0x29f: {  	p0 =	sne.s32 s29, s16;
	[tilespmem:v48+s23+$0x0] =	vst.idx.add.f32.msk vm2, v61  }
.Ltmp5:
0x2a0: {  	s30 =	simm.s32 $0x80;
	s31 =	simm.s32 $0x400;
	[tilespmem:v10+s23+$0x0] =	vst.idx.add.f32.msk vm15, v11;
	(pc) =	sbr.rel @p0 .LBB2_1-.Ltmp5, $4  }
0x2a1: {  	[hbm4b:s15+s30] =	stream.strided.scatter [tilespmem:s23], [sflag:$0x3], $0x2000, s31, s30, $0x38;
	[tilespmem:$0x1A000] =	vst v63  }
0x2a2: {  	_ =	swait.ge [sflag:s28], $0x2000  }
0x2a3: {  	[sflag:s28] =	ssyncset.done $0x0  }
0x2a4: {  	[sflag:s28] =	ssyncadd.s32 $0xFFFFE000  }
0x2a5: {  	_ =	sfence.sel $0x180000  }
0x2a6: {  	[bflag:$0x0] =	sbarrier.arrive $0xFFFF  }
0x2a7: {  	_ =	strace $0x90000047  }
0x2a8: {  	s0 =	stileid.u32;
	[bflag:$0x2] =	sbarrier.arrive $0xFFFF  }
0x2a9: {  	p0 =	sne.s32 s0, $0x0;
	s0 =	rddreg [dreg:$0x3]  }
0x2aa: {  	s0 =	sadd.s32 @!p0 $0x100000, s0  }
0x2ab: {  	[sflag:s0] =	ssyncadd.tile.s32 @!p0 $0x1;
	_ =	shalt  }
.Lfunc_end2:
_tile_overlayer_lowered:
.L_overlay_start_2:
0x2ac: {  	(tag) =	ssettag $0x2  }
0x2ad: {  	s0 =	rddreg [dreg:$0x0];
	s2 =	stileid.u32  }
0x2ae: {  	s1 =	rddreg [dreg:$0x1];
	p0 =	sne.s32 s2, $0x0  }
0x2af: {  	s3 =	rddreg [dreg:$0x2];
	[bflag:$0x3] =	sbarrier.arrive $0xFFFF;
	s2 =	simm.s32 @!p0 $0x1C03  }
0x2b0: {  	[timem:s3], [sflag:s2] =	dma.local @!p0 [hbm:s0], s1  }
0x2b1: {  	s0 =	simm.s32 @!p0 $0x3  }
0x2b2: {  	_ =	swait.ge @!p0 [sflag:s0], s1  }
0x2b3: {  	s1 =	ssub.s32 @!p0 $0x0, s1;
	[sflag:s0] =	ssyncset.done @!p0 $0x0  }
0x2b4: {  	[sflag:s0] =	ssyncadd.s32 @!p0 s1  }
0x2b5: {  	[bflag:$0x3] =	sbarrier.arrive $0xFFFF  }
0x2b6: {  	_ =	shalt  }

</sc_bundles>
